<compile_context>
chip_gen: v7x
topology: tpu7x:2x2x1
jax: 0.10.2.dev20260603
libtpu: 0.0.44.dev20260713+nightly
codegen_flags: <defaults>
</compile_context>

<pallas_src>
import functools

import jax
import jax.numpy as jnp
from jax import lax
from jax.experimental import pallas as pl
from jax.experimental.pallas import tpu as pltpu
from jax.experimental.pallas import tpu_sc as plsc

_BATCH = 4096
_HIST = 200
_DIM = 32
_V1 = 1000001
_VP = 1000064
_CHUNK = 4
_ROWS = _CHUNK * _HIST
_K = 896
_C0_MAX = _VP - _K


def _make_transpose(nc, ns):
    mesh = plsc.VectorSubcoreMesh(core_axis_name="c", subcore_axis_name="s")
    nw = nc * ns
    n_chunks = -(-_VP // _K)
    n_slots = -(-n_chunks // nw)
    n_slots += n_slots % 2
    n_pairs = n_slots // 2

    @functools.partial(
        pl.kernel,
        mesh=mesh,
        compiler_params=pltpu.CompilerParams(
            disable_bounds_checks=True, needs_layout_passes=False),
        out_type=jax.ShapeDtypeStruct((_VP * _DIM,), jnp.float32),
        scratch_types=[
            pltpu.VMEM((_DIM, _K), jnp.float32),
            pltpu.VMEM((_DIM, _K), jnp.float32),
            pltpu.VMEM((_K * _DIM,), jnp.float32),
            pltpu.VMEM((_K * _DIM,), jnp.float32),
            pltpu.SemaphoreType.DMA,
            pltpu.SemaphoreType.DMA,
            pltpu.SemaphoreType.DMA,
            pltpu.SemaphoreType.DMA,
        ],
    )
    def k(tt_hbm, flat_hbm, buf0, buf1, out0, out1, si0, si1, so0, so1):
        wid = lax.axis_index("s") * nc + lax.axis_index("c")
        lane32 = lax.iota(jnp.int32, 16) * _DIM
        bufs = (buf0, buf1)
        outs = (out0, out1)
        sis = (si0, si1)
        sos = (so0, so1)

        def c_of(ci):
            return jnp.minimum((wid * n_slots + ci) * _K, _C0_MAX)

        def start_in(ci, b):
            pltpu.async_copy(tt_hbm.at[:, pl.ds(c_of(ci), _K)], bufs[b], sis[b])

        def wait_in(ci, b):
            pltpu.make_async_copy(
                tt_hbm.at[:, pl.ds(c_of(ci), _K)], bufs[b], sis[b]).wait()

        def start_out(ci, b):
            pltpu.async_copy(
                outs[b], flat_hbm.at[pl.ds(c_of(ci) * _DIM, _K * _DIM)], sos[b])

        def wait_out(ci, b):
            pltpu.make_async_copy(
                outs[b], flat_hbm.at[pl.ds(c_of(ci) * _DIM, _K * _DIM)],
                sos[b]).wait()

        def pair(g, carry):
            for b in range(2):
                ci = 2 * g + b

                start_in(ci, b)
                wait_in(ci, b)

                @pl.when(ci >= 2)
                def _():
                    wait_out(ci - 2, b)

                @functools.partial(
                    plsc.parallel_loop, 0, (_K // 16) * _DIM, unroll=8)
                def _(i):
                    d = i & (_DIM - 1)
                    gg = i >> 5
                    v = bufs[b][d, pl.ds(gg * 16, 16)]
                    plsc.store_scatter(
                        outs[b], [gg * (16 * _DIM) + lane32 + d], v)

                start_out(ci, b)
            return carry

        lax.fori_loop(0, n_pairs, pair, 0)
        wait_out(n_slots - 2, 0)
        wait_out(n_slots - 1, 1)

    return k


def _make_gather(nc, ns, bpw):
    mesh = plsc.VectorSubcoreMesh(core_axis_name="c", subcore_axis_name="s")
    n_chunks = bpw // _CHUNK

    @functools.partial(
        pl.kernel,
        mesh=mesh,
        compiler_params=pltpu.CompilerParams(use_tc_tiling_on_sc=False),
        out_type=jax.ShapeDtypeStruct((_BATCH, _DIM), jnp.float32),
        scratch_types=[
            pltpu.VMEM((bpw * _HIST,), jnp.int32),
            pltpu.VMEM((bpw, 16), jnp.float32),
            pltpu.VMEM((_ROWS, _DIM), jnp.float32),
            pltpu.VMEM((_ROWS, _DIM), jnp.float32),
            pltpu.VMEM((bpw, _DIM), jnp.float32),
            pltpu.SemaphoreType.DMA,
            pltpu.SemaphoreType.DMA,
        ],
    )
    def k(idx_hbm, lens_hbm, table_hbm, out_hbm,
          idx_v, lens_v, buf0, buf1, out_v, sem0, sem1):
        wid = lax.axis_index("s") * nc + lax.axis_index("c")
        base = wid * bpw
        pltpu.sync_copy(idx_hbm.at[wid], idx_v)
        pltpu.sync_copy(lens_hbm.at[pl.ds(base, bpw)], lens_v)

        def gather(cc, buf, sem):
            return pltpu.async_copy(
                table_hbm.at[idx_v.at[pl.ds(cc * _ROWS, _ROWS)]], buf, sem)

        gather(0, buf0, sem0)

        def super_body(g, carry):
            for b in range(2):
                cc = 2 * g + b
                bufc, semc = (buf0, sem0) if b == 0 else (buf1, sem1)
                bufn, semn = (buf1, sem1) if b == 0 else (buf0, sem0)

                @pl.when(cc + 1 < n_chunks)
                def _():
                    gather(cc + 1, bufn, semn)

                pltpu.make_async_copy(
                    table_hbm.at[idx_v.at[pl.ds(cc * _ROWS, _ROWS)]],
                    bufc, semc).wait()

                for jj in range(_CHUNK):
                    rbase = jj * _HIST

                    def red(l, acc):
                        accs = list(acc)
                        r0 = rbase + l * 8
                        for t in range(8):
                            p = t % 4
                            accs[2 * p] = accs[2 * p] + bufc[r0 + t, pl.ds(0, 16)]
                            accs[2 * p + 1] = (
                                accs[2 * p + 1] + bufc[r0 + t, pl.ds(16, 16)])
                        return tuple(accs)

                    zero = jnp.zeros((16,), jnp.float32)
                    accs = lax.fori_loop(0, _HIST // 8, red, (zero,) * 8)
                    a0 = (accs[0] + accs[2]) + (accs[4] + accs[6])
                    a1 = (accs[1] + accs[3]) + (accs[5] + accs[7])
                    j = cc * _CHUNK + jj
                    lenv = lens_v[j, pl.ds(0, 16)]
                    out_v[j, pl.ds(0, 16)] = a0 / lenv
                    out_v[j, pl.ds(16, 16)] = a1 / lenv
            return carry

        lax.fori_loop(0, n_chunks // 2, super_body, 0)
        pltpu.sync_copy(out_v, out_hbm.at[pl.ds(base, bpw)])

    return k


def kernel(inputs, input_lens, table):
    info = plsc.get_sparse_core_info()
    nc, ns = info.num_cores, info.num_subcores
    nw = nc * ns
    bpw = _BATCH // nw
    idx = inputs.reshape(nw, bpw * _HIST)
    lens = jnp.broadcast_to(input_lens.reshape(_BATCH, 1), (_BATCH, 16))
    tt = jnp.transpose(table)
    flat = _make_transpose(nc, ns)(tt)
    tbl = flat.reshape(_VP, _DIM)
    return _make_gather(nc, ns, bpw)(idx, lens, tbl)

# --- scband reference (transcript-rebuilt; emitter-appended) ---
"""Pipeline reference for scband-fast-text-51402168598819 (READ-ONLY COPY).

The authoritative reference and input builder live on the scoring server;
editing this copy changes nothing except your own understanding.
"""

import jax, jax.numpy as jnp
import numpy as np

VOCAB_SIZE = 1000000
EMBED_DIM = 32
BATCH = 4096
HIST_LEN = 200

def setup_inputs(seed: int = 0) -> dict:
    key = jax.random.key(seed)
    k1, k2, k3 = jax.random.split(key, 3)
    inputs = jax.random.randint(k1, (BATCH, HIST_LEN), 0, VOCAB_SIZE + 1, dtype=jnp.int64 if jax.config.jax_enable_x64 else jnp.int32).astype(jnp.int32)
    # lengths >= 1 to avoid divide-by-zero (mirrors real sequence lengths)
    input_lens = jax.random.randint(k2, (BATCH, 1), 1, HIST_LEN + 1).astype(jnp.float32)
    # Embedding table: Keras Embedding(input_dim=vocab_size+1, output_dim=embedding_dim)
    table = jax.random.normal(k3, (VOCAB_SIZE + 1, EMBED_DIM), dtype=jnp.float32) * 0.05
    return {"inputs": inputs, "input_lens": input_lens, "table": table}

def reference(inputs, input_lens, table):
    # Keras Embedding with mask_zero=True returns unmodified embeddings;
    # the mask is metadata not consumed by tf.reduce_sum, so the faithful
    # computation is: gather -> sum over seq axis -> divide by lengths.
    embedding = jnp.take(table, inputs, axis=0)          # [B, L, D]
    embedding_sum = jnp.sum(embedding, axis=1)           # [B, D]
    outputs = jnp.divide(embedding_sum, input_lens)      # broadcast [B,1]
    return outputs

if __name__ == "__main__":
    import jax
    _d = setup_inputs()
    print(jax.jit(kernel)(*tuple(_d.values())))

</pallas_src>

<mosaic_0001>
#map = affine_map<(d0, d1) -> (0, 0)>
#map1 = affine_map<(d0, d1) -> (0)>
module attributes {stable_mosaic.version = 14 : i64} {
  func.func @k(%arg0: i32, %arg1: i32, %arg2: memref<32x1000001xf32, #tpu.memory_space<hbm>>, %arg3: memref<32002048xf32, #tpu.memory_space<hbm>>, %arg4: memref<32x896xf32, #tpu.memory_space<vmem>>, %arg5: memref<32x896xf32, #tpu.memory_space<vmem>>, %arg6: memref<28672xf32, #tpu.memory_space<vmem>>, %arg7: memref<28672xf32, #tpu.memory_space<vmem>>, %arg8: memref<!tpu.dma_semaphore, #tpu.memory_space<semaphore_mem>>, %arg9: memref<!tpu.dma_semaphore, #tpu.memory_space<semaphore_mem>>, %arg10: memref<!tpu.dma_semaphore, #tpu.memory_space<semaphore_mem>>, %arg11: memref<!tpu.dma_semaphore, #tpu.memory_space<semaphore_mem>>) attributes {dimension_semantics = [#tpu.dimension_semantics<core_parallel>, #tpu.dimension_semantics<subcore_parallel>], iteration_bounds = array<i64: 2, 16>, scalar_prefetch = 0 : i64, scratch_operands = 8 : i64, tpu.core_type = #tpu.core_type<sc_vector_subcore>, window_params = [{transform_indices = #map}, {transform_indices = #map1}]} {
    %mul3A = arith.constant 2 : i32
    %mul3A_0 = arith.muli %arg1, %mul3A : i32
    %add3A = arith.addi %mul3A_0, %arg0 : i32
    %iota3A = tpu.iota {dimensions = array<i32: 0>} : vector<16xi32>
    %mul3A_1 = arith.constant 32 : i32
    %mul3A_2 = vector.broadcast %mul3A_1 : i32 to vector<16xi32>
    %mul3A_3 = arith.muli %iota3A, %mul3A_2 : vector<16xi32>
    %scan3A = arith.constant 0 : i32
    %scan3A_4 = arith.constant 0 : i32
    %scan3A_5 = arith.constant 18 : i32
    %scan3A_6 = arith.addi %scan3A_4, %scan3A_5 : i32
    %scan3A_7 = arith.constant 1 : i32
    scf.for %scan3A_31 = %scan3A_4 to %scan3A_6 step %scan3A_7  : i32 {
      %mul3A_32 = arith.constant 2 : i32
      %mul3A_33 = arith.muli %mul3A_32, %scan3A_31 : i32
      %add3A_34 = arith.constant 0 : i32
      %add3A_35 = arith.addi %mul3A_33, %add3A_34 : i32
      %mul3A_36 = arith.constant 36 : i32
      %mul3A_37 = arith.muli %add3A, %mul3A_36 : i32
      %add3A_38 = arith.addi %mul3A_37, %add3A_35 : i32
      %mul3A_39 = arith.constant 896 : i32
      %mul3A_40 = arith.muli %add3A_38, %mul3A_39 : i32
      %min3A_41 = arith.constant 999168 : i32
      %min3A_42 = arith.minsi %mul3A_40, %min3A_41 : i32
      %dma_start3A = arith.constant 0 : i32
      %dma_start3A_43 = tpu.memref_slice %arg2[%dma_start3A, %min3A_42] : memref<32x1000001xf32, #tpu.memory_space<hbm>> -> memref<32x896xf32, #tpu.memory_space<hbm>>
      %dma_start3A_44 = arith.constant 0 : i32
      %dma_start3A_45 = tpu.memref_slice %arg2[%dma_start3A_44, %min3A_42] : memref<32x1000001xf32, #tpu.memory_space<hbm>> -> memref<32x896xf32, #tpu.memory_space<hbm>>
      tpu.enqueue_dma source(%dma_start3A_45 : memref<32x896xf32, #tpu.memory_space<hbm>>) target(%arg4 : memref<32x896xf32, #tpu.memory_space<vmem>>) target_semaphore(%arg8 : memref<!tpu.dma_semaphore, #tpu.memory_space<semaphore_mem>>)
      %mul3A_46 = arith.constant 36 : i32
      %mul3A_47 = arith.muli %add3A, %mul3A_46 : i32
      %add3A_48 = arith.addi %mul3A_47, %add3A_35 : i32
      %mul3A_49 = arith.constant 896 : i32
      %mul3A_50 = arith.muli %add3A_48, %mul3A_49 : i32
      %min3A_51 = arith.constant 999168 : i32
      %min3A_52 = arith.minsi %mul3A_50, %min3A_51 : i32
      %dma_wait3A_53 = arith.constant 0 : i32
      %dma_wait3A_54 = tpu.memref_slice %arg2[%dma_wait3A_53, %min3A_52] : memref<32x1000001xf32, #tpu.memory_space<hbm>> -> memref<32x896xf32, #tpu.memory_space<hbm>>
      %dma_wait3A_55 = arith.constant 0 : i32
      %dma_wait3A_56 = tpu.memref_slice %arg2[%dma_wait3A_55, %min3A_52] : memref<32x1000001xf32, #tpu.memory_space<hbm>> -> memref<32x896xf32, #tpu.memory_space<hbm>>
      tpu.wait_dma2 semaphore(%arg8 : memref<!tpu.dma_semaphore, #tpu.memory_space<semaphore_mem>>) src(%dma_wait3A_56 : memref<32x896xf32, #tpu.memory_space<hbm>>) dst(%arg4 : memref<32x896xf32, #tpu.memory_space<vmem>>)
      %ge3A = arith.constant 2 : i32
      %ge3A_57 = arith.cmpi sge, %add3A_35, %ge3A : i32
      %convert_element_type3A = arith.extui %ge3A_57 : i1 to i32
      %cond3A = arith.constant 0 : i32
      %cond3A_58 = arith.cmpi ne, %convert_element_type3A, %cond3A : i32
      scf.if %cond3A_58 {
        %sub3A = arith.constant 2 : i32
        %sub3A_112 = arith.subi %add3A_35, %sub3A : i32
        %mul3A_113 = arith.constant 36 : i32
        %mul3A_114 = arith.muli %add3A, %mul3A_113 : i32
        %add3A_115 = arith.addi %mul3A_114, %sub3A_112 : i32
        %mul3A_116 = arith.constant 896 : i32
        %mul3A_117 = arith.muli %add3A_115, %mul3A_116 : i32
        %min3A_118 = arith.constant 999168 : i32
        %min3A_119 = arith.minsi %mul3A_117, %min3A_118 : i32
        %mul3A_120 = arith.constant 32 : i32
        %mul3A_121 = arith.muli %min3A_119, %mul3A_120 : i32
        %dma_wait3A_122 = tpu.memref_slice %arg3[%mul3A_121] : memref<32002048xf32, #tpu.memory_space<hbm>> -> memref<28672xf32, #tpu.memory_space<hbm>>
        %dma_wait3A_123 = tpu.memref_slice %arg3[%mul3A_121] : memref<32002048xf32, #tpu.memory_space<hbm>> -> memref<28672xf32, #tpu.memory_space<hbm>>
        tpu.wait_dma2 semaphore(%arg10 : memref<!tpu.dma_semaphore, #tpu.memory_space<semaphore_mem>>) src(%arg6 : memref<28672xf32, #tpu.memory_space<vmem>>) dst(%dma_wait3A_123 : memref<28672xf32, #tpu.memory_space<hbm>>)
      } else {
      }
      %mul3A_59 = arith.constant 36 : i32
      %mul3A_60 = arith.muli %add3A, %mul3A_59 : i32
      %add3A_61 = arith.addi %mul3A_60, %add3A_35 : i32
      %mul3A_62 = arith.constant 896 : i32
      %mul3A_63 = arith.muli %add3A_61, %mul3A_62 : i32
      %min3A_64 = arith.constant 999168 : i32
      %min3A_65 = arith.minsi %mul3A_63, %min3A_64 : i32
      %mul3A_66 = arith.constant 32 : i32
      %mul3A_67 = arith.muli %min3A_65, %mul3A_66 : i32
      %dma_start3A_68 = tpu.memref_slice %arg3[%mul3A_67] : memref<32002048xf32, #tpu.memory_space<hbm>> -> memref<28672xf32, #tpu.memory_space<hbm>>
      %dma_start3A_69 = tpu.memref_slice %arg3[%mul3A_67] : memref<32002048xf32, #tpu.memory_space<hbm>> -> memref<28672xf32, #tpu.memory_space<hbm>>
      tpu.enqueue_dma source(%arg6 : memref<28672xf32, #tpu.memory_space<vmem>>) target(%dma_start3A_69 : memref<28672xf32, #tpu.memory_space<hbm>>) target_semaphore(%arg10 : memref<!tpu.dma_semaphore, #tpu.memory_space<semaphore_mem>>)
      %mul3A_70 = arith.constant 2 : i32
      %mul3A_71 = arith.muli %mul3A_70, %scan3A_31 : i32
      %add3A_72 = arith.constant 1 : i32
      %add3A_73 = arith.addi %mul3A_71, %add3A_72 : i32
      %mul3A_74 = arith.constant 36 : i32
      %mul3A_75 = arith.muli %add3A, %mul3A_74 : i32
      %add3A_76 = arith.addi %mul3A_75, %add3A_73 : i32
      %mul3A_77 = arith.constant 896 : i32
      %mul3A_78 = arith.muli %add3A_76, %mul3A_77 : i32
      %min3A_79 = arith.constant 999168 : i32
      %min3A_80 = arith.minsi %mul3A_78, %min3A_79 : i32
      %dma_start3A_81 = arith.constant 0 : i32
      %dma_start3A_82 = tpu.memref_slice %arg2[%dma_start3A_81, %min3A_80] : memref<32x1000001xf32, #tpu.memory_space<hbm>> -> memref<32x896xf32, #tpu.memory_space<hbm>>
      %dma_start3A_83 = arith.constant 0 : i32
      %dma_start3A_84 = tpu.memref_slice %arg2[%dma_start3A_83, %min3A_80] : memref<32x1000001xf32, #tpu.memory_space<hbm>> -> memref<32x896xf32, #tpu.memory_space<hbm>>
      tpu.enqueue_dma source(%dma_start3A_84 : memref<32x896xf32, #tpu.memory_space<hbm>>) target(%arg5 : memref<32x896xf32, #tpu.memory_space<vmem>>) target_semaphore(%arg9 : memref<!tpu.dma_semaphore, #tpu.memory_space<semaphore_mem>>)
      %mul3A_85 = arith.constant 36 : i32
      %mul3A_86 = arith.muli %add3A, %mul3A_85 : i32
      %add3A_87 = arith.addi %mul3A_86, %add3A_73 : i32
      %mul3A_88 = arith.constant 896 : i32
      %mul3A_89 = arith.muli %add3A_87, %mul3A_88 : i32
      %min3A_90 = arith.constant 999168 : i32
      %min3A_91 = arith.minsi %mul3A_89, %min3A_90 : i32
      %dma_wait3A_92 = arith.constant 0 : i32
      %dma_wait3A_93 = tpu.memref_slice %arg2[%dma_wait3A_92, %min3A_91] : memref<32x1000001xf32, #tpu.memory_space<hbm>> -> memref<32x896xf32, #tpu.memory_space<hbm>>
      %dma_wait3A_94 = arith.constant 0 : i32
      %dma_wait3A_95 = tpu.memref_slice %arg2[%dma_wait3A_94, %min3A_91] : memref<32x1000001xf32, #tpu.memory_space<hbm>> -> memref<32x896xf32, #tpu.memory_space<hbm>>
      tpu.wait_dma2 semaphore(%arg9 : memref<!tpu.dma_semaphore, #tpu.memory_space<semaphore_mem>>) src(%dma_wait3A_95 : memref<32x896xf32, #tpu.memory_space<hbm>>) dst(%arg5 : memref<32x896xf32, #tpu.memory_space<vmem>>)
      %ge3A_96 = arith.constant 2 : i32
      %ge3A_97 = arith.cmpi sge, %add3A_73, %ge3A_96 : i32
      %convert_element_type3A_98 = arith.extui %ge3A_97 : i1 to i32
      %cond3A_99 = arith.constant 0 : i32
      %cond3A_100 = arith.cmpi ne, %convert_element_type3A_98, %cond3A_99 : i32
      scf.if %cond3A_100 {
        %sub3A = arith.constant 2 : i32
        %sub3A_112 = arith.subi %add3A_73, %sub3A : i32
        %mul3A_113 = arith.constant 36 : i32
        %mul3A_114 = arith.muli %add3A, %mul3A_113 : i32
        %add3A_115 = arith.addi %mul3A_114, %sub3A_112 : i32
        %mul3A_116 = arith.constant 896 : i32
        %mul3A_117 = arith.muli %add3A_115, %mul3A_116 : i32
        %min3A_118 = arith.constant 999168 : i32
        %min3A_119 = arith.minsi %mul3A_117, %min3A_118 : i32
        %mul3A_120 = arith.constant 32 : i32
        %mul3A_121 = arith.muli %min3A_119, %mul3A_120 : i32
        %dma_wait3A_122 = tpu.memref_slice %arg3[%mul3A_121] : memref<32002048xf32, #tpu.memory_space<hbm>> -> memref<28672xf32, #tpu.memory_space<hbm>>
        %dma_wait3A_123 = tpu.memref_slice %arg3[%mul3A_121] : memref<32002048xf32, #tpu.memory_space<hbm>> -> memref<28672xf32, #tpu.memory_space<hbm>>
        tpu.wait_dma2 semaphore(%arg11 : memref<!tpu.dma_semaphore, #tpu.memory_space<semaphore_mem>>) src(%arg7 : memref<28672xf32, #tpu.memory_space<vmem>>) dst(%dma_wait3A_123 : memref<28672xf32, #tpu.memory_space<hbm>>)
      } else {
      }
      %mul3A_101 = arith.constant 36 : i32
      %mul3A_102 = arith.muli %add3A, %mul3A_101 : i32
      %add3A_103 = arith.addi %mul3A_102, %add3A_73 : i32
      %mul3A_104 = arith.constant 896 : i32
      %mul3A_105 = arith.muli %add3A_103, %mul3A_104 : i32
      %min3A_106 = arith.constant 999168 : i32
      %min3A_107 = arith.minsi %mul3A_105, %min3A_106 : i32
      %mul3A_108 = arith.constant 32 : i32
      %mul3A_109 = arith.muli %min3A_107, %mul3A_108 : i32
      %dma_start3A_110 = tpu.memref_slice %arg3[%mul3A_109] : memref<32002048xf32, #tpu.memory_space<hbm>> -> memref<28672xf32, #tpu.memory_space<hbm>>
      %dma_start3A_111 = tpu.memref_slice %arg3[%mul3A_109] : memref<32002048xf32, #tpu.memory_space<hbm>> -> memref<28672xf32, #tpu.memory_space<hbm>>
      tpu.enqueue_dma source(%arg7 : memref<28672xf32, #tpu.memory_space<vmem>>) target(%dma_start3A_111 : memref<28672xf32, #tpu.memory_space<hbm>>) target_semaphore(%arg11 : memref<!tpu.dma_semaphore, #tpu.memory_space<semaphore_mem>>)
    }
    %scan3A_8 = arith.constant 18 : i32
    %mul3A_9 = arith.constant 36 : i32
    %mul3A_10 = arith.muli %add3A, %mul3A_9 : i32
    %add3A_11 = arith.constant 34 : i32
    %add3A_12 = arith.addi %mul3A_10, %add3A_11 : i32
    %mul3A_13 = arith.constant 896 : i32
    %mul3A_14 = arith.muli %add3A_12, %mul3A_13 : i32
    %min3A = arith.constant 999168 : i32
    %min3A_15 = arith.minsi %mul3A_14, %min3A : i32
    %mul3A_16 = arith.constant 32 : i32
    %mul3A_17 = arith.muli %min3A_15, %mul3A_16 : i32
    %dma_wait3A = tpu.memref_slice %arg3[%mul3A_17] : memref<32002048xf32, #tpu.memory_space<hbm>> -> memref<28672xf32, #tpu.memory_space<hbm>>
    %dma_wait3A_18 = tpu.memref_slice %arg3[%mul3A_17] : memref<32002048xf32, #tpu.memory_space<hbm>> -> memref<28672xf32, #tpu.memory_space<hbm>>
    tpu.wait_dma2 semaphore(%arg10 : memref<!tpu.dma_semaphore, #tpu.memory_space<semaphore_mem>>) src(%arg6 : memref<28672xf32, #tpu.memory_space<vmem>>) dst(%dma_wait3A_18 : memref<28672xf32, #tpu.memory_space<hbm>>)
    %mul3A_19 = arith.constant 36 : i32
    %mul3A_20 = arith.muli %add3A, %mul3A_19 : i32
    %add3A_21 = arith.constant 35 : i32
    %add3A_22 = arith.addi %mul3A_20, %add3A_21 : i32
    %mul3A_23 = arith.constant 896 : i32
    %mul3A_24 = arith.muli %add3A_22, %mul3A_23 : i32
    %min3A_25 = arith.constant 999168 : i32
    %min3A_26 = arith.minsi %mul3A_24, %min3A_25 : i32
    %mul3A_27 = arith.constant 32 : i32
    %mul3A_28 = arith.muli %min3A_26, %mul3A_27 : i32
    %dma_wait3A_29 = tpu.memref_slice %arg3[%mul3A_28] : memref<32002048xf32, #tpu.memory_space<hbm>> -> memref<28672xf32, #tpu.memory_space<hbm>>
    %dma_wait3A_30 = tpu.memref_slice %arg3[%mul3A_28] : memref<32002048xf32, #tpu.memory_space<hbm>> -> memref<28672xf32, #tpu.memory_space<hbm>>
    tpu.wait_dma2 semaphore(%arg11 : memref<!tpu.dma_semaphore, #tpu.memory_space<semaphore_mem>>) src(%arg7 : memref<28672xf32, #tpu.memory_space<vmem>>) dst(%dma_wait3A_30 : memref<28672xf32, #tpu.memory_space<hbm>>)
    return
  }
}

#map = affine_map<(d0, d1) -> (0, 0)>
module attributes {stable_mosaic.version = 14 : i64} {
  func.func @k(%arg0: i32, %arg1: i32, %arg2: memref<32x25600xi32, #tpu.memory_space<hbm>>, %arg3: memref<4096x16xf32, #tpu.memory_space<hbm>>, %arg4: memref<1000064x32xf32, #tpu.memory_space<hbm>>, %arg5: memref<4096x32xf32, #tpu.memory_space<hbm>>, %arg6: memref<25600xi32, #tpu.memory_space<vmem>>, %arg7: memref<128x16xf32, #tpu.memory_space<vmem>>, %arg8: memref<800x32xf32, #tpu.memory_space<vmem>>, %arg9: memref<800x32xf32, #tpu.memory_space<vmem>>, %arg10: memref<128x32xf32, #tpu.memory_space<vmem>>, %arg11: memref<!tpu.dma_semaphore, #tpu.memory_space<semaphore_mem>>, %arg12: memref<!tpu.dma_semaphore, #tpu.memory_space<semaphore_mem>>) attributes {dimension_semantics = [#tpu.dimension_semantics<core_parallel>, #tpu.dimension_semantics<subcore_parallel>], iteration_bounds = array<i64: 2, 16>, scalar_prefetch = 0 : i64, scratch_operands = 7 : i64, tpu.core_type = #tpu.core_type<sc_vector_subcore>, window_params = [{transform_indices = #map}, {transform_indices = #map}, {transform_indices = #map}, {transform_indices = #map}]} {
    %mul3A = arith.constant 2 : i32
    %mul3A_0 = arith.muli %arg1, %mul3A : i32
    %add3A = arith.addi %mul3A_0, %arg0 : i32
    %mul3A_1 = arith.constant 128 : i32
    %mul3A_2 = arith.muli %add3A, %mul3A_1 : i32
    "tpu.region"() ({
      %run_scoped3A = tpu.sem_alloc : memref<!tpu.dma_semaphore, #tpu.memory_space<semaphore_mem>>
      %dma_start3A_12 = arith.constant 0 : i32
      %dma_start3A_13 = tpu.memref_slice %arg2[%add3A, %dma_start3A_12] : memref<32x25600xi32, #tpu.memory_space<hbm>> -> memref<1x25600xi32, #tpu.memory_space<hbm>>
      %dma_start3A_14 = tpu.memref_squeeze %dma_start3A_13 : memref<1x25600xi32, #tpu.memory_space<hbm>> -> memref<25600xi32, #tpu.memory_space<hbm>>
      %dma_start3A_15 = arith.constant 0 : i32
      %dma_start3A_16 = tpu.memref_slice %arg2[%add3A, %dma_start3A_15] : memref<32x25600xi32, #tpu.memory_space<hbm>> -> memref<1x25600xi32, #tpu.memory_space<hbm>>
      %dma_start3A_17 = tpu.memref_squeeze %dma_start3A_16 : memref<1x25600xi32, #tpu.memory_space<hbm>> -> memref<25600xi32, #tpu.memory_space<hbm>>
      tpu.enqueue_dma source(%dma_start3A_17 : memref<25600xi32, #tpu.memory_space<hbm>>) target(%arg6 : memref<25600xi32, #tpu.memory_space<vmem>>) target_semaphore(%run_scoped3A : memref<!tpu.dma_semaphore, #tpu.memory_space<semaphore_mem>>)
      %dma_wait3A = arith.constant 0 : i32
      %dma_wait3A_18 = tpu.memref_slice %arg2[%add3A, %dma_wait3A] : memref<32x25600xi32, #tpu.memory_space<hbm>> -> memref<1x25600xi32, #tpu.memory_space<hbm>>
      %dma_wait3A_19 = tpu.memref_squeeze %dma_wait3A_18 : memref<1x25600xi32, #tpu.memory_space<hbm>> -> memref<25600xi32, #tpu.memory_space<hbm>>
      %dma_wait3A_20 = arith.constant 0 : i32
      %dma_wait3A_21 = tpu.memref_slice %arg2[%add3A, %dma_wait3A_20] : memref<32x25600xi32, #tpu.memory_space<hbm>> -> memref<1x25600xi32, #tpu.memory_space<hbm>>
      %dma_wait3A_22 = tpu.memref_squeeze %dma_wait3A_21 : memref<1x25600xi32, #tpu.memory_space<hbm>> -> memref<25600xi32, #tpu.memory_space<hbm>>
      tpu.wait_dma2 semaphore(%run_scoped3A : memref<!tpu.dma_semaphore, #tpu.memory_space<semaphore_mem>>) src(%dma_wait3A_22 : memref<25600xi32, #tpu.memory_space<hbm>>) dst(%arg6 : memref<25600xi32, #tpu.memory_space<vmem>>)
      tpu.yield
    }) : () -> ()
    "tpu.region"() ({
      %run_scoped3A = tpu.sem_alloc : memref<!tpu.dma_semaphore, #tpu.memory_space<semaphore_mem>>
      %dma_start3A_12 = arith.constant 0 : i32
      %dma_start3A_13 = tpu.memref_slice %arg3[%mul3A_2, %dma_start3A_12] : memref<4096x16xf32, #tpu.memory_space<hbm>> -> memref<128x16xf32, #tpu.memory_space<hbm>>
      %dma_start3A_14 = arith.constant 0 : i32
      %dma_start3A_15 = tpu.memref_slice %arg3[%mul3A_2, %dma_start3A_14] : memref<4096x16xf32, #tpu.memory_space<hbm>> -> memref<128x16xf32, #tpu.memory_space<hbm>>
      tpu.enqueue_dma source(%dma_start3A_15 : memref<128x16xf32, #tpu.memory_space<hbm>>) target(%arg7 : memref<128x16xf32, #tpu.memory_space<vmem>>) target_semaphore(%run_scoped3A : memref<!tpu.dma_semaphore, #tpu.memory_space<semaphore_mem>>)
      %dma_wait3A = arith.constant 0 : i32
      %dma_wait3A_16 = tpu.memref_slice %arg3[%mul3A_2, %dma_wait3A] : memref<4096x16xf32, #tpu.memory_space<hbm>> -> memref<128x16xf32, #tpu.memory_space<hbm>>
      %dma_wait3A_17 = arith.constant 0 : i32
      %dma_wait3A_18 = tpu.memref_slice %arg3[%mul3A_2, %dma_wait3A_17] : memref<4096x16xf32, #tpu.memory_space<hbm>> -> memref<128x16xf32, #tpu.memory_space<hbm>>
      tpu.wait_dma2 semaphore(%run_scoped3A : memref<!tpu.dma_semaphore, #tpu.memory_space<semaphore_mem>>) src(%dma_wait3A_18 : memref<128x16xf32, #tpu.memory_space<hbm>>) dst(%arg7 : memref<128x16xf32, #tpu.memory_space<vmem>>)
      tpu.yield
    }) : () -> ()
    %dma_start3A = arith.constant 0 : i32
    %dma_start3A_3 = tpu.memref_slice %arg6[%dma_start3A] : memref<25600xi32, #tpu.memory_space<vmem>> -> memref<800xi32, #tpu.memory_space<vmem>>
    %dma_start3A_4 = arith.constant 0 : i32
    %dma_start3A_5 = arith.constant 0 : i32
    %dma_start3A_6 = tpu.memref_slice %arg4[%dma_start3A_4, %dma_start3A_5] : memref<1000064x32xf32, #tpu.memory_space<hbm>> -> memref<1000064x32xf32, #tpu.memory_space<hbm>>
    tpu.enqueue_indirect_dma source(%dma_start3A_6 : memref<1000064x32xf32, #tpu.memory_space<hbm>>) target(%arg8 : memref<800x32xf32, #tpu.memory_space<vmem>>) offsets(%dma_start3A_3 : memref<800xi32, #tpu.memory_space<vmem>>) semaphore(%arg11 : memref<!tpu.dma_semaphore, #tpu.memory_space<semaphore_mem>>)
    %scan3A = arith.constant 0 : i32
    %scan3A_7 = arith.constant 0 : i32
    %scan3A_8 = arith.constant 16 : i32
    %scan3A_9 = arith.addi %scan3A_7, %scan3A_8 : i32
    %scan3A_10 = arith.constant 1 : i32
    scf.for %scan3A_12 = %scan3A_7 to %scan3A_9 step %scan3A_10  : i32 {
      %mul3A_13 = arith.constant 2 : i32
      %mul3A_14 = arith.muli %mul3A_13, %scan3A_12 : i32
      %add3A_15 = arith.constant 0 : i32
      %add3A_16 = arith.addi %mul3A_14, %add3A_15 : i32
      %add3A_17 = arith.constant 1 : i32
      %add3A_18 = arith.addi %add3A_16, %add3A_17 : i32
      %lt3A = arith.constant 32 : i32
      %lt3A_19 = arith.cmpi slt, %add3A_18, %lt3A : i32
      %convert_element_type3A = arith.extui %lt3A_19 : i1 to i32
      %cond3A = arith.constant 0 : i32
      %cond3A_20 = arith.cmpi ne, %convert_element_type3A, %cond3A : i32
      scf.if %cond3A_20 {
        %add3A_311 = arith.constant 1 : i32
        %add3A_312 = arith.addi %add3A_16, %add3A_311 : i32
        %mul3A_313 = arith.constant 800 : i32
        %mul3A_314 = arith.muli %add3A_312, %mul3A_313 : i32
        %dma_start3A_315 = tpu.memref_slice %arg6[%mul3A_314] : memref<25600xi32, #tpu.memory_space<vmem>> -> memref<800xi32, #tpu.memory_space<vmem>>
        %dma_start3A_316 = arith.constant 0 : i32
        %dma_start3A_317 = arith.constant 0 : i32
        %dma_start3A_318 = tpu.memref_slice %arg4[%dma_start3A_316, %dma_start3A_317] : memref<1000064x32xf32, #tpu.memory_space<hbm>> -> memref<1000064x32xf32, #tpu.memory_space<hbm>>
        tpu.enqueue_indirect_dma source(%dma_start3A_318 : memref<1000064x32xf32, #tpu.memory_space<hbm>>) target(%arg9 : memref<800x32xf32, #tpu.memory_space<vmem>>) offsets(%dma_start3A_315 : memref<800xi32, #tpu.memory_space<vmem>>) semaphore(%arg12 : memref<!tpu.dma_semaphore, #tpu.memory_space<semaphore_mem>>)
      } else {
      }
      %mul3A_21 = arith.constant 800 : i32
      %mul3A_22 = arith.muli %add3A_16, %mul3A_21 : i32
      %dma_wait3A = tpu.memref_slice %arg6[%mul3A_22] : memref<25600xi32, #tpu.memory_space<vmem>> -> memref<800xi32, #tpu.memory_space<vmem>>
      %dma_wait3A_23 = arith.constant 0 : i32
      %dma_wait3A_24 = arith.constant 0 : i32
      %dma_wait3A_25 = tpu.memref_slice %arg4[%dma_wait3A_23, %dma_wait3A_24] : memref<1000064x32xf32, #tpu.memory_space<hbm>> -> memref<1000064x32xf32, #tpu.memory_space<hbm>>
      tpu.wait_indirect_dma semaphore(%arg11 : memref<!tpu.dma_semaphore, #tpu.memory_space<semaphore_mem>>) src(%dma_wait3A_25 : memref<1000064x32xf32, #tpu.memory_space<hbm>>) dst(%arg8 : memref<800x32xf32, #tpu.memory_space<vmem>>)
      %broadcast_in_dim3A = arith.constant 0.000000e+00 : f32
      %broadcast_in_dim3A_26 = vector.broadcast %broadcast_in_dim3A : f32 to vector<16xf32>
      %scan3A_27 = arith.constant 0 : i32
      %scan3A_28 = arith.constant 25 : i32
      %scan3A_29 = arith.addi %scan3A_27, %scan3A_28 : i32
      %scan3A_30 = arith.constant 1 : i32
      %scan3A_31:8 = scf.for %scan3A_311 = %scan3A_27 to %scan3A_29 step %scan3A_30 iter_args(%scan3A_312 = %broadcast_in_dim3A_26, %scan3A_313 = %broadcast_in_dim3A_26, %scan3A_314 = %broadcast_in_dim3A_26, %scan3A_315 = %broadcast_in_dim3A_26, %scan3A_316 = %broadcast_in_dim3A_26, %scan3A_317 = %broadcast_in_dim3A_26, %scan3A_318 = %broadcast_in_dim3A_26, %scan3A_319 = %broadcast_in_dim3A_26) -> (vector<16xf32>, vector<16xf32>, vector<16xf32>, vector<16xf32>, vector<16xf32>, vector<16xf32>, vector<16xf32>, vector<16xf32>)  : i32 {
        %mul3A_320 = arith.constant 8 : i32
        %mul3A_321 = arith.muli %scan3A_311, %mul3A_320 : i32
        %add3A_322 = arith.constant 0 : i32
        %add3A_323 = arith.addi %add3A_322, %mul3A_321 : i32
        %add3A_324 = arith.constant 0 : i32
        %add3A_325 = arith.addi %add3A_323, %add3A_324 : i32
        %get3A_326 = arith.index_cast %add3A_325 : i32 to index
        %get3A_327 = arith.constant 0 : index
        %get3A_328 = tpu.vector_load %arg8[%get3A_326, %get3A_327] {strides = array<i32>} : memref<800x32xf32, #tpu.memory_space<vmem>>, vector<1x16xf32>,
        %get3A_329 = vector.shape_cast %get3A_328 : vector<1x16xf32> to vector<16xf32>
        %add3A_330 = arith.addf %scan3A_312, %get3A_329 : vector<16xf32>
        %add3A_331 = arith.constant 0 : i32
        %add3A_332 = arith.addi %add3A_323, %add3A_331 : i32
        %get3A_333 = arith.index_cast %add3A_332 : i32 to index
        %get3A_334 = arith.constant 16 : index
        %get3A_335 = tpu.vector_load %arg8[%get3A_333, %get3A_334] {strides = array<i32>} : memref<800x32xf32, #tpu.memory_space<vmem>>, vector<1x16xf32>,
        %get3A_336 = vector.shape_cast %get3A_335 : vector<1x16xf32> to vector<16xf32>
        %add3A_337 = arith.addf %scan3A_313, %get3A_336 : vector<16xf32>
        %add3A_338 = arith.constant 1 : i32
        %add3A_339 = arith.addi %add3A_323, %add3A_338 : i32
        %get3A_340 = arith.index_cast %add3A_339 : i32 to index
        %get3A_341 = arith.constant 0 : index
        %get3A_342 = tpu.vector_load %arg8[%get3A_340, %get3A_341] {strides = array<i32>} : memref<800x32xf32, #tpu.memory_space<vmem>>, vector<1x16xf32>,
        %get3A_343 = vector.shape_cast %get3A_342 : vector<1x16xf32> to vector<16xf32>
        %add3A_344 = arith.addf %scan3A_314, %get3A_343 : vector<16xf32>
        %add3A_345 = arith.constant 1 : i32
        %add3A_346 = arith.addi %add3A_323, %add3A_345 : i32
        %get3A_347 = arith.index_cast %add3A_346 : i32 to index
        %get3A_348 = arith.constant 16 : index
        %get3A_349 = tpu.vector_load %arg8[%get3A_347, %get3A_348] {strides = array<i32>} : memref<800x32xf32, #tpu.memory_space<vmem>>, vector<1x16xf32>,
        %get3A_350 = vector.shape_cast %get3A_349 : vector<1x16xf32> to vector<16xf32>
        %add3A_351 = arith.addf %scan3A_315, %get3A_350 : vector<16xf32>
        %add3A_352 = arith.constant 2 : i32
        %add3A_353 = arith.addi %add3A_323, %add3A_352 : i32
        %get3A_354 = arith.index_cast %add3A_353 : i32 to index
        %get3A_355 = arith.constant 0 : index
        %get3A_356 = tpu.vector_load %arg8[%get3A_354, %get3A_355] {strides = array<i32>} : memref<800x32xf32, #tpu.memory_space<vmem>>, vector<1x16xf32>,
        %get3A_357 = vector.shape_cast %get3A_356 : vector<1x16xf32> to vector<16xf32>
        %add3A_358 = arith.addf %scan3A_316, %get3A_357 : vector<16xf32>
        %add3A_359 = arith.constant 2 : i32
        %add3A_360 = arith.addi %add3A_323, %add3A_359 : i32
        %get3A_361 = arith.index_cast %add3A_360 : i32 to index
        %get3A_362 = arith.constant 16 : index
        %get3A_363 = tpu.vector_load %arg8[%get3A_361, %get3A_362] {strides = array<i32>} : memref<800x32xf32, #tpu.memory_space<vmem>>, vector<1x16xf32>,
        %get3A_364 = vector.shape_cast %get3A_363 : vector<1x16xf32> to vector<16xf32>
        %add3A_365 = arith.addf %scan3A_317, %get3A_364 : vector<16xf32>
        %add3A_366 = arith.constant 3 : i32
        %add3A_367 = arith.addi %add3A_323, %add3A_366 : i32
        %get3A_368 = arith.index_cast %add3A_367 : i32 to index
        %get3A_369 = arith.constant 0 : index
        %get3A_370 = tpu.vector_load %arg8[%get3A_368, %get3A_369] {strides = array<i32>} : memref<800x32xf32, #tpu.memory_space<vmem>>, vector<1x16xf32>,
        %get3A_371 = vector.shape_cast %get3A_370 : vector<1x16xf32> to vector<16xf32>
        %add3A_372 = arith.addf %scan3A_318, %get3A_371 : vector<16xf32>
        %add3A_373 = arith.constant 3 : i32
        %add3A_374 = arith.addi %add3A_323, %add3A_373 : i32
        %get3A_375 = arith.index_cast %add3A_374 : i32 to index
        %get3A_376 = arith.constant 16 : index
        %get3A_377 = tpu.vector_load %arg8[%get3A_375, %get3A_376] {strides = array<i32>} : memref<800x32xf32, #tpu.memory_space<vmem>>, vector<1x16xf32>,
        %get3A_378 = vector.shape_cast %get3A_377 : vector<1x16xf32> to vector<16xf32>
        %add3A_379 = arith.addf %scan3A_319, %get3A_378 : vector<16xf32>
        %add3A_380 = arith.constant 4 : i32
        %add3A_381 = arith.addi %add3A_323, %add3A_380 : i32
        %get3A_382 = arith.index_cast %add3A_381 : i32 to index
        %get3A_383 = arith.constant 0 : index
        %get3A_384 = tpu.vector_load %arg8[%get3A_382, %get3A_383] {strides = array<i32>} : memref<800x32xf32, #tpu.memory_space<vmem>>, vector<1x16xf32>,
        %get3A_385 = vector.shape_cast %get3A_384 : vector<1x16xf32> to vector<16xf32>
        %add3A_386 = arith.addf %add3A_330, %get3A_385 : vector<16xf32>
        %add3A_387 = arith.constant 4 : i32
        %add3A_388 = arith.addi %add3A_323, %add3A_387 : i32
        %get3A_389 = arith.index_cast %add3A_388 : i32 to index
        %get3A_390 = arith.constant 16 : index
        %get3A_391 = tpu.vector_load %arg8[%get3A_389, %get3A_390] {strides = array<i32>} : memref<800x32xf32, #tpu.memory_space<vmem>>, vector<1x16xf32>,
        %get3A_392 = vector.shape_cast %get3A_391 : vector<1x16xf32> to vector<16xf32>
        %add3A_393 = arith.addf %add3A_337, %get3A_392 : vector<16xf32>
        %add3A_394 = arith.constant 5 : i32
        %add3A_395 = arith.addi %add3A_323, %add3A_394 : i32
        %get3A_396 = arith.index_cast %add3A_395 : i32 to index
        %get3A_397 = arith.constant 0 : index
        %get3A_398 = tpu.vector_load %arg8[%get3A_396, %get3A_397] {strides = array<i32>} : memref<800x32xf32, #tpu.memory_space<vmem>>, vector<1x16xf32>,
        %get3A_399 = vector.shape_cast %get3A_398 : vector<1x16xf32> to vector<16xf32>
        %add3A_400 = arith.addf %add3A_344, %get3A_399 : vector<16xf32>
        %add3A_401 = arith.constant 5 : i32
        %add3A_402 = arith.addi %add3A_323, %add3A_401 : i32
        %get3A_403 = arith.index_cast %add3A_402 : i32 to index
        %get3A_404 = arith.constant 16 : index
        %get3A_405 = tpu.vector_load %arg8[%get3A_403, %get3A_404] {strides = array<i32>} : memref<800x32xf32, #tpu.memory_space<vmem>>, vector<1x16xf32>,
        %get3A_406 = vector.shape_cast %get3A_405 : vector<1x16xf32> to vector<16xf32>
        %add3A_407 = arith.addf %add3A_351, %get3A_406 : vector<16xf32>
        %add3A_408 = arith.constant 6 : i32
        %add3A_409 = arith.addi %add3A_323, %add3A_408 : i32
        %get3A_410 = arith.index_cast %add3A_409 : i32 to index
        %get3A_411 = arith.constant 0 : index
        %get3A_412 = tpu.vector_load %arg8[%get3A_410, %get3A_411] {strides = array<i32>} : memref<800x32xf32, #tpu.memory_space<vmem>>, vector<1x16xf32>,
        %get3A_413 = vector.shape_cast %get3A_412 : vector<1x16xf32> to vector<16xf32>
        %add3A_414 = arith.addf %add3A_358, %get3A_413 : vector<16xf32>
        %add3A_415 = arith.constant 6 : i32
        %add3A_416 = arith.addi %add3A_323, %add3A_415 : i32
        %get3A_417 = arith.index_cast %add3A_416 : i32 to index
        %get3A_418 = arith.constant 16 : index
        %get3A_419 = tpu.vector_load %arg8[%get3A_417, %get3A_418] {strides = array<i32>} : memref<800x32xf32, #tpu.memory_space<vmem>>, vector<1x16xf32>,
        %get3A_420 = vector.shape_cast %get3A_419 : vector<1x16xf32> to vector<16xf32>
        %add3A_421 = arith.addf %add3A_365, %get3A_420 : vector<16xf32>
        %add3A_422 = arith.constant 7 : i32
        %add3A_423 = arith.addi %add3A_323, %add3A_422 : i32
        %get3A_424 = arith.index_cast %add3A_423 : i32 to index
        %get3A_425 = arith.constant 0 : index
        %get3A_426 = tpu.vector_load %arg8[%get3A_424, %get3A_425] {strides = array<i32>} : memref<800x32xf32, #tpu.memory_space<vmem>>, vector<1x16xf32>,
        %get3A_427 = vector.shape_cast %get3A_426 : vector<1x16xf32> to vector<16xf32>
        %add3A_428 = arith.addf %add3A_372, %get3A_427 : vector<16xf32>
        %add3A_429 = arith.constant 7 : i32
        %add3A_430 = arith.addi %add3A_323, %add3A_429 : i32
        %get3A_431 = arith.index_cast %add3A_430 : i32 to index
        %get3A_432 = arith.constant 16 : index
        %get3A_433 = tpu.vector_load %arg8[%get3A_431, %get3A_432] {strides = array<i32>} : memref<800x32xf32, #tpu.memory_space<vmem>>, vector<1x16xf32>,
        %get3A_434 = vector.shape_cast %get3A_433 : vector<1x16xf32> to vector<16xf32>
        %add3A_435 = arith.addf %add3A_379, %get3A_434 : vector<16xf32>
        scf.yield %add3A_386, %add3A_393, %add3A_400, %add3A_407, %add3A_414, %add3A_421, %add3A_428, %add3A_435 : vector<16xf32>, vector<16xf32>, vector<16xf32>, vector<16xf32>, vector<16xf32>, vector<16xf32>, vector<16xf32>, vector<16xf32>
      }
      %scan3A_32 = arith.constant 25 : i32
      %add3A_33 = arith.addf %scan3A_31#0, %scan3A_31#2 : vector<16xf32>
      %add3A_34 = arith.addf %scan3A_31#4, %scan3A_31#6 : vector<16xf32>
      %add3A_35 = arith.addf %add3A_33, %add3A_34 : vector<16xf32>
      %add3A_36 = arith.addf %scan3A_31#1, %scan3A_31#3 : vector<16xf32>
      %add3A_37 = arith.addf %scan3A_31#5, %scan3A_31#7 : vector<16xf32>
      %add3A_38 = arith.addf %add3A_36, %add3A_37 : vector<16xf32>
      %mul3A_39 = arith.constant 4 : i32
      %mul3A_40 = arith.muli %add3A_16, %mul3A_39 : i32
      %add3A_41 = arith.constant 0 : i32
      %add3A_42 = arith.addi %mul3A_40, %add3A_41 : i32
      %get3A = arith.index_cast %add3A_42 : i32 to index
      %get3A_43 = arith.constant 0 : index
      %get3A_44 = tpu.vector_load %arg7[%get3A, %get3A_43] {strides = array<i32>} : memref<128x16xf32, #tpu.memory_space<vmem>>, vector<1x16xf32>,
      %get3A_45 = vector.shape_cast %get3A_44 : vector<1x16xf32> to vector<16xf32>
      %div3A = arith.divf %add3A_35, %get3A_45 : vector<16xf32>
      %swap3A = arith.index_cast %add3A_42 : i32 to index
      %swap3A_46 = arith.constant 0 : index
      %swap3A_47 = tpu.vector_load %arg10[%swap3A, %swap3A_46] {strides = array<i32>} : memref<128x32xf32, #tpu.memory_space<vmem>>, vector<1x16xf32>,
      %swap3A_48 = vector.shape_cast %swap3A_47 : vector<1x16xf32> to vector<16xf32>
      %swap3A_49 = vector.shape_cast %div3A : vector<16xf32> to vector<1x16xf32>
      tpu.vector_store %arg10[%swap3A, %swap3A_46], %swap3A_49 {strides = array<i32>} : memref<128x32xf32, #tpu.memory_space<vmem>>, vector<1x16xf32>,
      %div3A_50 = arith.divf %add3A_38, %get3A_45 : vector<16xf32>
      %swap3A_51 = arith.index_cast %add3A_42 : i32 to index
      %swap3A_52 = arith.constant 16 : index
      %swap3A_53 = tpu.vector_load %arg10[%swap3A_51, %swap3A_52] {strides = array<i32>} : memref<128x32xf32, #tpu.memory_space<vmem>>, vector<1x16xf32>,
      %swap3A_54 = vector.shape_cast %swap3A_53 : vector<1x16xf32> to vector<16xf32>
      %swap3A_55 = vector.shape_cast %div3A_50 : vector<16xf32> to vector<1x16xf32>
      tpu.vector_store %arg10[%swap3A_51, %swap3A_52], %swap3A_55 {strides = array<i32>} : memref<128x32xf32, #tpu.memory_space<vmem>>, vector<1x16xf32>,
      %broadcast_in_dim3A_56 = arith.constant 0.000000e+00 : f32
      %broadcast_in_dim3A_57 = vector.broadcast %broadcast_in_dim3A_56 : f32 to vector<16xf32>
      %scan3A_58 = arith.constant 0 : i32
      %scan3A_59 = arith.constant 25 : i32
      %scan3A_60 = arith.addi %scan3A_58, %scan3A_59 : i32
      %scan3A_61 = arith.constant 1 : i32
      %scan3A_62:8 = scf.for %scan3A_311 = %scan3A_58 to %scan3A_60 step %scan3A_61 iter_args(%scan3A_312 = %broadcast_in_dim3A_57, %scan3A_313 = %broadcast_in_dim3A_57, %scan3A_314 = %broadcast_in_dim3A_57, %scan3A_315 = %broadcast_in_dim3A_57, %scan3A_316 = %broadcast_in_dim3A_57, %scan3A_317 = %broadcast_in_dim3A_57, %scan3A_318 = %broadcast_in_dim3A_57, %scan3A_319 = %broadcast_in_dim3A_57) -> (vector<16xf32>, vector<16xf32>, vector<16xf32>, vector<16xf32>, vector<16xf32>, vector<16xf32>, vector<16xf32>, vector<16xf32>)  : i32 {
        %mul3A_320 = arith.constant 8 : i32
        %mul3A_321 = arith.muli %scan3A_311, %mul3A_320 : i32
        %add3A_322 = arith.constant 200 : i32
        %add3A_323 = arith.addi %add3A_322, %mul3A_321 : i32
        %add3A_324 = arith.constant 0 : i32
        %add3A_325 = arith.addi %add3A_323, %add3A_324 : i32
        %get3A_326 = arith.index_cast %add3A_325 : i32 to index
        %get3A_327 = arith.constant 0 : index
        %get3A_328 = tpu.vector_load %arg8[%get3A_326, %get3A_327] {strides = array<i32>} : memref<800x32xf32, #tpu.memory_space<vmem>>, vector<1x16xf32>,
        %get3A_329 = vector.shape_cast %get3A_328 : vector<1x16xf32> to vector<16xf32>
        %add3A_330 = arith.addf %scan3A_312, %get3A_329 : vector<16xf32>
        %add3A_331 = arith.constant 0 : i32
        %add3A_332 = arith.addi %add3A_323, %add3A_331 : i32
        %get3A_333 = arith.index_cast %add3A_332 : i32 to index
        %get3A_334 = arith.constant 16 : index
        %get3A_335 = tpu.vector_load %arg8[%get3A_333, %get3A_334] {strides = array<i32>} : memref<800x32xf32, #tpu.memory_space<vmem>>, vector<1x16xf32>,
        %get3A_336 = vector.shape_cast %get3A_335 : vector<1x16xf32> to vector<16xf32>
        %add3A_337 = arith.addf %scan3A_313, %get3A_336 : vector<16xf32>
        %add3A_338 = arith.constant 1 : i32
        %add3A_339 = arith.addi %add3A_323, %add3A_338 : i32
        %get3A_340 = arith.index_cast %add3A_339 : i32 to index
        %get3A_341 = arith.constant 0 : index
        %get3A_342 = tpu.vector_load %arg8[%get3A_340, %get3A_341] {strides = array<i32>} : memref<800x32xf32, #tpu.memory_space<vmem>>, vector<1x16xf32>,
        %get3A_343 = vector.shape_cast %get3A_342 : vector<1x16xf32> to vector<16xf32>
        %add3A_344 = arith.addf %scan3A_314, %get3A_343 : vector<16xf32>
        %add3A_345 = arith.constant 1 : i32
        %add3A_346 = arith.addi %add3A_323, %add3A_345 : i32
        %get3A_347 = arith.index_cast %add3A_346 : i32 to index
        %get3A_348 = arith.constant 16 : index
        %get3A_349 = tpu.vector_load %arg8[%get3A_347, %get3A_348] {strides = array<i32>} : memref<800x32xf32, #tpu.memory_space<vmem>>, vector<1x16xf32>,
        %get3A_350 = vector.shape_cast %get3A_349 : vector<1x16xf32> to vector<16xf32>
        %add3A_351 = arith.addf %scan3A_315, %get3A_350 : vector<16xf32>
        %add3A_352 = arith.constant 2 : i32
        %add3A_353 = arith.addi %add3A_323, %add3A_352 : i32
        %get3A_354 = arith.index_cast %add3A_353 : i32 to index
        %get3A_355 = arith.constant 0 : index
        %get3A_356 = tpu.vector_load %arg8[%get3A_354, %get3A_355] {strides = array<i32>} : memref<800x32xf32, #tpu.memory_space<vmem>>, vector<1x16xf32>,
        %get3A_357 = vector.shape_cast %get3A_356 : vector<1x16xf32> to vector<16xf32>
        %add3A_358 = arith.addf %scan3A_316, %get3A_357 : vector<16xf32>
        %add3A_359 = arith.constant 2 : i32
        %add3A_360 = arith.addi %add3A_323, %add3A_359 : i32
        %get3A_361 = arith.index_cast %add3A_360 : i32 to index
        %get3A_362 = arith.constant 16 : index
        %get3A_363 = tpu.vector_load %arg8[%get3A_361, %get3A_362] {strides = array<i32>} : memref<800x32xf32, #tpu.memory_space<vmem>>, vector<1x16xf32>,
        %get3A_364 = vector.shape_cast %get3A_363 : vector<1x16xf32> to vector<16xf32>
        %add3A_365 = arith.addf %scan3A_317, %get3A_364 : vector<16xf32>
        %add3A_366 = arith.constant 3 : i32
        %add3A_367 = arith.addi %add3A_323, %add3A_366 : i32
        %get3A_368 = arith.index_cast %add3A_367 : i32 to index
        %get3A_369 = arith.constant 0 : index
        %get3A_370 = tpu.vector_load %arg8[%get3A_368, %get3A_369] {strides = array<i32>} : memref<800x32xf32, #tpu.memory_space<vmem>>, vector<1x16xf32>,
        %get3A_371 = vector.shape_cast %get3A_370 : vector<1x16xf32> to vector<16xf32>
        %add3A_372 = arith.addf %scan3A_318, %get3A_371 : vector<16xf32>
        %add3A_373 = arith.constant 3 : i32
        %add3A_374 = arith.addi %add3A_323, %add3A_373 : i32
        %get3A_375 = arith.index_cast %add3A_374 : i32 to index
        %get3A_376 = arith.constant 16 : index
        %get3A_377 = tpu.vector_load %arg8[%get3A_375, %get3A_376] {strides = array<i32>} : memref<800x32xf32, #tpu.memory_space<vmem>>, vector<1x16xf32>,
        %get3A_378 = vector.shape_cast %get3A_377 : vector<1x16xf32> to vector<16xf32>
        %add3A_379 = arith.addf %scan3A_319, %get3A_378 : vector<16xf32>
        %add3A_380 = arith.constant 4 : i32
        %add3A_381 = arith.addi %add3A_323, %add3A_380 : i32
        %get3A_382 = arith.index_cast %add3A_381 : i32 to index
        %get3A_383 = arith.constant 0 : index
        %get3A_384 = tpu.vector_load %arg8[%get3A_382, %get3A_383] {strides = array<i32>} : memref<800x32xf32, #tpu.memory_space<vmem>>, vector<1x16xf32>,
        %get3A_385 = vector.shape_cast %get3A_384 : vector<1x16xf32> to vector<16xf32>
        %add3A_386 = arith.addf %add3A_330, %get3A_385 : vector<16xf32>
        %add3A_387 = arith.constant 4 : i32
        %add3A_388 = arith.addi %add3A_323, %add3A_387 : i32
        %get3A_389 = arith.index_cast %add3A_388 : i32 to index
        %get3A_390 = arith.constant 16 : index
        %get3A_391 = tpu.vector_load %arg8[%get3A_389, %get3A_390] {strides = array<i32>} : memref<800x32xf32, #tpu.memory_space<vmem>>, vector<1x16xf32>,
        %get3A_392 = vector.shape_cast %get3A_391 : vector<1x16xf32> to vector<16xf32>
        %add3A_393 = arith.addf %add3A_337, %get3A_392 : vector<16xf32>
        %add3A_394 = arith.constant 5 : i32
        %add3A_395 = arith.addi %add3A_323, %add3A_394 : i32
        %get3A_396 = arith.index_cast %add3A_395 : i32 to index
        %get3A_397 = arith.constant 0 : index
        %get3A_398 = tpu.vector_load %arg8[%get3A_396, %get3A_397] {strides = array<i32>} : memref<800x32xf32, #tpu.memory_space<vmem>>, vector<1x16xf32>,
        %get3A_399 = vector.shape_cast %get3A_398 : vector<1x16xf32> to vector<16xf32>
        %add3A_400 = arith.addf %add3A_344, %get3A_399 : vector<16xf32>
        %add3A_401 = arith.constant 5 : i32
        %add3A_402 = arith.addi %add3A_323, %add3A_401 : i32
        %get3A_403 = arith.index_cast %add3A_402 : i32 to index
        %get3A_404 = arith.constant 16 : index
        %get3A_405 = tpu.vector_load %arg8[%get3A_403, %get3A_404] {strides = array<i32>} : memref<800x32xf32, #tpu.memory_space<vmem>>, vector<1x16xf32>,
        %get3A_406 = vector.shape_cast %get3A_405 : vector<1x16xf32> to vector<16xf32>
        %add3A_407 = arith.addf %add3A_351, %get3A_406 : vector<16xf32>
        %add3A_408 = arith.constant 6 : i32
        %add3A_409 = arith.addi %add3A_323, %add3A_408 : i32
        %get3A_410 = arith.index_cast %add3A_409 : i32 to index
        %get3A_411 = arith.constant 0 : index
        %get3A_412 = tpu.vector_load %arg8[%get3A_410, %get3A_411] {strides = array<i32>} : memref<800x32xf32, #tpu.memory_space<vmem>>, vector<1x16xf32>,
        %get3A_413 = vector.shape_cast %get3A_412 : vector<1x16xf32> to vector<16xf32>
        %add3A_414 = arith.addf %add3A_358, %get3A_413 : vector<16xf32>
        %add3A_415 = arith.constant 6 : i32
        %add3A_416 = arith.addi %add3A_323, %add3A_415 : i32
        %get3A_417 = arith.index_cast %add3A_416 : i32 to index
        %get3A_418 = arith.constant 16 : index
        %get3A_419 = tpu.vector_load %arg8[%get3A_417, %get3A_418] {strides = array<i32>} : memref<800x32xf32, #tpu.memory_space<vmem>>, vector<1x16xf32>,
        %get3A_420 = vector.shape_cast %get3A_419 : vector<1x16xf32> to vector<16xf32>
        %add3A_421 = arith.addf %add3A_365, %get3A_420 : vector<16xf32>
        %add3A_422 = arith.constant 7 : i32
        %add3A_423 = arith.addi %add3A_323, %add3A_422 : i32
        %get3A_424 = arith.index_cast %add3A_423 : i32 to index
        %get3A_425 = arith.constant 0 : index
        %get3A_426 = tpu.vector_load %arg8[%get3A_424, %get3A_425] {strides = array<i32>} : memref<800x32xf32, #tpu.memory_space<vmem>>, vector<1x16xf32>,
        %get3A_427 = vector.shape_cast %get3A_426 : vector<1x16xf32> to vector<16xf32>
        %add3A_428 = arith.addf %add3A_372, %get3A_427 : vector<16xf32>
        %add3A_429 = arith.constant 7 : i32
        %add3A_430 = arith.addi %add3A_323, %add3A_429 : i32
        %get3A_431 = arith.index_cast %add3A_430 : i32 to index
        %get3A_432 = arith.constant 16 : index
        %get3A_433 = tpu.vector_load %arg8[%get3A_431, %get3A_432] {strides = array<i32>} : memref<800x32xf32, #tpu.memory_space<vmem>>, vector<1x16xf32>,
        %get3A_434 = vector.shape_cast %get3A_433 : vector<1x16xf32> to vector<16xf32>
        %add3A_435 = arith.addf %add3A_379, %get3A_434 : vector<16xf32>
        scf.yield %add3A_386, %add3A_393, %add3A_400, %add3A_407, %add3A_414, %add3A_421, %add3A_428, %add3A_435 : vector<16xf32>, vector<16xf32>, vector<16xf32>, vector<16xf32>, vector<16xf32>, vector<16xf32>, vector<16xf32>, vector<16xf32>
      }
      %scan3A_63 = arith.constant 25 : i32
      %add3A_64 = arith.addf %scan3A_62#0, %scan3A_62#2 : vector<16xf32>
      %add3A_65 = arith.addf %scan3A_62#4, %scan3A_62#6 : vector<16xf32>
      %add3A_66 = arith.addf %add3A_64, %add3A_65 : vector<16xf32>
      %add3A_67 = arith.addf %scan3A_62#1, %scan3A_62#3 : vector<16xf32>
      %add3A_68 = arith.addf %scan3A_62#5, %scan3A_62#7 : vector<16xf32>
      %add3A_69 = arith.addf %add3A_67, %add3A_68 : vector<16xf32>
      %mul3A_70 = arith.constant 4 : i32
      %mul3A_71 = arith.muli %add3A_16, %mul3A_70 : i32
      %add3A_72 = arith.constant 1 : i32
      %add3A_73 = arith.addi %mul3A_71, %add3A_72 : i32
      %get3A_74 = arith.index_cast %add3A_73 : i32 to index
      %get3A_75 = arith.constant 0 : index
      %get3A_76 = tpu.vector_load %arg7[%get3A_74, %get3A_75] {strides = array<i32>} : memref<128x16xf32, #tpu.memory_space<vmem>>, vector<1x16xf32>,
      %get3A_77 = vector.shape_cast %get3A_76 : vector<1x16xf32> to vector<16xf32>
      %div3A_78 = arith.divf %add3A_66, %get3A_77 : vector<16xf32>
      %swap3A_79 = arith.index_cast %add3A_73 : i32 to index
      %swap3A_80 = arith.constant 0 : index
      %swap3A_81 = tpu.vector_load %arg10[%swap3A_79, %swap3A_80] {strides = array<i32>} : memref<128x32xf32, #tpu.memory_space<vmem>>, vector<1x16xf32>,
      %swap3A_82 = vector.shape_cast %swap3A_81 : vector<1x16xf32> to vector<16xf32>
      %swap3A_83 = vector.shape_cast %div3A_78 : vector<16xf32> to vector<1x16xf32>
      tpu.vector_store %arg10[%swap3A_79, %swap3A_80], %swap3A_83 {strides = array<i32>} : memref<128x32xf32, #tpu.memory_space<vmem>>, vector<1x16xf32>,
      %div3A_84 = arith.divf %add3A_69, %get3A_77 : vector<16xf32>
      %swap3A_85 = arith.index_cast %add3A_73 : i32 to index
      %swap3A_86 = arith.constant 16 : index
      %swap3A_87 = tpu.vector_load %arg10[%swap3A_85, %swap3A_86] {strides = array<i32>} : memref<128x32xf32, #tpu.memory_space<vmem>>, vector<1x16xf32>,
      %swap3A_88 = vector.shape_cast %swap3A_87 : vector<1x16xf32> to vector<16xf32>
      %swap3A_89 = vector.shape_cast %div3A_84 : vector<16xf32> to vector<1x16xf32>
      tpu.vector_store %arg10[%swap3A_85, %swap3A_86], %swap3A_89 {strides = array<i32>} : memref<128x32xf32, #tpu.memory_space<vmem>>, vector<1x16xf32>,
      %broadcast_in_dim3A_90 = arith.constant 0.000000e+00 : f32
      %broadcast_in_dim3A_91 = vector.broadcast %broadcast_in_dim3A_90 : f32 to vector<16xf32>
      %scan3A_92 = arith.constant 0 : i32
      %scan3A_93 = arith.constant 25 : i32
      %scan3A_94 = arith.addi %scan3A_92, %scan3A_93 : i32
      %scan3A_95 = arith.constant 1 : i32
      %scan3A_96:8 = scf.for %scan3A_311 = %scan3A_92 to %scan3A_94 step %scan3A_95 iter_args(%scan3A_312 = %broadcast_in_dim3A_91, %scan3A_313 = %broadcast_in_dim3A_91, %scan3A_314 = %broadcast_in_dim3A_91, %scan3A_315 = %broadcast_in_dim3A_91, %scan3A_316 = %broadcast_in_dim3A_91, %scan3A_317 = %broadcast_in_dim3A_91, %scan3A_318 = %broadcast_in_dim3A_91, %scan3A_319 = %broadcast_in_dim3A_91) -> (vector<16xf32>, vector<16xf32>, vector<16xf32>, vector<16xf32>, vector<16xf32>, vector<16xf32>, vector<16xf32>, vector<16xf32>)  : i32 {
        %mul3A_320 = arith.constant 8 : i32
        %mul3A_321 = arith.muli %scan3A_311, %mul3A_320 : i32
        %add3A_322 = arith.constant 400 : i32
        %add3A_323 = arith.addi %add3A_322, %mul3A_321 : i32
        %add3A_324 = arith.constant 0 : i32
        %add3A_325 = arith.addi %add3A_323, %add3A_324 : i32
        %get3A_326 = arith.index_cast %add3A_325 : i32 to index
        %get3A_327 = arith.constant 0 : index
        %get3A_328 = tpu.vector_load %arg8[%get3A_326, %get3A_327] {strides = array<i32>} : memref<800x32xf32, #tpu.memory_space<vmem>>, vector<1x16xf32>,
        %get3A_329 = vector.shape_cast %get3A_328 : vector<1x16xf32> to vector<16xf32>
        %add3A_330 = arith.addf %scan3A_312, %get3A_329 : vector<16xf32>
        %add3A_331 = arith.constant 0 : i32
        %add3A_332 = arith.addi %add3A_323, %add3A_331 : i32
        %get3A_333 = arith.index_cast %add3A_332 : i32 to index
        %get3A_334 = arith.constant 16 : index
        %get3A_335 = tpu.vector_load %arg8[%get3A_333, %get3A_334] {strides = array<i32>} : memref<800x32xf32, #tpu.memory_space<vmem>>, vector<1x16xf32>,
        %get3A_336 = vector.shape_cast %get3A_335 : vector<1x16xf32> to vector<16xf32>
        %add3A_337 = arith.addf %scan3A_313, %get3A_336 : vector<16xf32>
        %add3A_338 = arith.constant 1 : i32
        %add3A_339 = arith.addi %add3A_323, %add3A_338 : i32
        %get3A_340 = arith.index_cast %add3A_339 : i32 to index
        %get3A_341 = arith.constant 0 : index
        %get3A_342 = tpu.vector_load %arg8[%get3A_340, %get3A_341] {strides = array<i32>} : memref<800x32xf32, #tpu.memory_space<vmem>>, vector<1x16xf32>,
        %get3A_343 = vector.shape_cast %get3A_342 : vector<1x16xf32> to vector<16xf32>
        %add3A_344 = arith.addf %scan3A_314, %get3A_343 : vector<16xf32>
        %add3A_345 = arith.constant 1 : i32
        %add3A_346 = arith.addi %add3A_323, %add3A_345 : i32
        %get3A_347 = arith.index_cast %add3A_346 : i32 to index
        %get3A_348 = arith.constant 16 : index
        %get3A_349 = tpu.vector_load %arg8[%get3A_347, %get3A_348] {strides = array<i32>} : memref<800x32xf32, #tpu.memory_space<vmem>>, vector<1x16xf32>,
        %get3A_350 = vector.shape_cast %get3A_349 : vector<1x16xf32> to vector<16xf32>
        %add3A_351 = arith.addf %scan3A_315, %get3A_350 : vector<16xf32>
        %add3A_352 = arith.constant 2 : i32
        %add3A_353 = arith.addi %add3A_323, %add3A_352 : i32
        %get3A_354 = arith.index_cast %add3A_353 : i32 to index
        %get3A_355 = arith.constant 0 : index
        %get3A_356 = tpu.vector_load %arg8[%get3A_354, %get3A_355] {strides = array<i32>} : memref<800x32xf32, #tpu.memory_space<vmem>>, vector<1x16xf32>,
        %get3A_357 = vector.shape_cast %get3A_356 : vector<1x16xf32> to vector<16xf32>
        %add3A_358 = arith.addf %scan3A_316, %get3A_357 : vector<16xf32>
        %add3A_359 = arith.constant 2 : i32
        %add3A_360 = arith.addi %add3A_323, %add3A_359 : i32
        %get3A_361 = arith.index_cast %add3A_360 : i32 to index
        %get3A_362 = arith.constant 16 : index
        %get3A_363 = tpu.vector_load %arg8[%get3A_361, %get3A_362] {strides = array<i32>} : memref<800x32xf32, #tpu.memory_space<vmem>>, vector<1x16xf32>,
        %get3A_364 = vector.shape_cast %get3A_363 : vector<1x16xf32> to vector<16xf32>
        %add3A_365 = arith.addf %scan3A_317, %get3A_364 : vector<16xf32>
        %add3A_366 = arith.constant 3 : i32
        %add3A_367 = arith.addi %add3A_323, %add3A_366 : i32
        %get3A_368 = arith.index_cast %add3A_367 : i32 to index
        %get3A_369 = arith.constant 0 : index
        %get3A_370 = tpu.vector_load %arg8[%get3A_368, %get3A_369] {strides = array<i32>} : memref<800x32xf32, #tpu.memory_space<vmem>>, vector<1x16xf32>,
        %get3A_371 = vector.shape_cast %get3A_370 : vector<1x16xf32> to vector<16xf32>
        %add3A_372 = arith.addf %scan3A_318, %get3A_371 : vector<16xf32>
        %add3A_373 = arith.constant 3 : i32
        %add3A_374 = arith.addi %add3A_323, %add3A_373 : i32
        %get3A_375 = arith.index_cast %add3A_374 : i32 to index
        %get3A_376 = arith.constant 16 : index
        %get3A_377 = tpu.vector_load %arg8[%get3A_375, %get3A_376] {strides = array<i32>} : memref<800x32xf32, #tpu.memory_space<vmem>>, vector<1x16xf32>,
        %get3A_378 = vector.shape_cast %get3A_377 : vector<1x16xf32> to vector<16xf32>
        %add3A_379 = arith.addf %scan3A_319, %get3A_378 : vector<16xf32>
        %add3A_380 = arith.constant 4 : i32
        %add3A_381 = arith.addi %add3A_323, %add3A_380 : i32
        %get3A_382 = arith.index_cast %add3A_381 : i32 to index
        %get3A_383 = arith.constant 0 : index
        %get3A_384 = tpu.vector_load %arg8[%get3A_382, %get3A_383] {strides = array<i32>} : memref<800x32xf32, #tpu.memory_space<vmem>>, vector<1x16xf32>,
        %get3A_385 = vector.shape_cast %get3A_384 : vector<1x16xf32> to vector<16xf32>
        %add3A_386 = arith.addf %add3A_330, %get3A_385 : vector<16xf32>
        %add3A_387 = arith.constant 4 : i32
        %add3A_388 = arith.addi %add3A_323, %add3A_387 : i32
        %get3A_389 = arith.index_cast %add3A_388 : i32 to index
        %get3A_390 = arith.constant 16 : index
        %get3A_391 = tpu.vector_load %arg8[%get3A_389, %get3A_390] {strides = array<i32>} : memref<800x32xf32, #tpu.memory_space<vmem>>, vector<1x16xf32>,
        %get3A_392 = vector.shape_cast %get3A_391 : vector<1x16xf32> to vector<16xf32>
        %add3A_393 = arith.addf %add3A_337, %get3A_392 : vector<16xf32>
        %add3A_394 = arith.constant 5 : i32
        %add3A_395 = arith.addi %add3A_323, %add3A_394 : i32
        %get3A_396 = arith.index_cast %add3A_395 : i32 to index
        %get3A_397 = arith.constant 0 : index
        %get3A_398 = tpu.vector_load %arg8[%get3A_396, %get3A_397] {strides = array<i32>} : memref<800x32xf32, #tpu.memory_space<vmem>>, vector<1x16xf32>,
        %get3A_399 = vector.shape_cast %get3A_398 : vector<1x16xf32> to vector<16xf32>
        %add3A_400 = arith.addf %add3A_344, %get3A_399 : vector<16xf32>
        %add3A_401 = arith.constant 5 : i32
        %add3A_402 = arith.addi %add3A_323, %add3A_401 : i32
        %get3A_403 = arith.index_cast %add3A_402 : i32 to index
        %get3A_404 = arith.constant 16 : index
        %get3A_405 = tpu.vector_load %arg8[%get3A_403, %get3A_404] {strides = array<i32>} : memref<800x32xf32, #tpu.memory_space<vmem>>, vector<1x16xf32>,
        %get3A_406 = vector.shape_cast %get3A_405 : vector<1x16xf32> to vector<16xf32>
        %add3A_407 = arith.addf %add3A_351, %get3A_406 : vector<16xf32>
        %add3A_408 = arith.constant 6 : i32
        %add3A_409 = arith.addi %add3A_323, %add3A_408 : i32
        %get3A_410 = arith.index_cast %add3A_409 : i32 to index
        %get3A_411 = arith.constant 0 : index
        %get3A_412 = tpu.vector_load %arg8[%get3A_410, %get3A_411] {strides = array<i32>} : memref<800x32xf32, #tpu.memory_space<vmem>>, vector<1x16xf32>,
        %get3A_413 = vector.shape_cast %get3A_412 : vector<1x16xf32> to vector<16xf32>
        %add3A_414 = arith.addf %add3A_358, %get3A_413 : vector<16xf32>
        %add3A_415 = arith.constant 6 : i32
        %add3A_416 = arith.addi %add3A_323, %add3A_415 : i32
        %get3A_417 = arith.index_cast %add3A_416 : i32 to index
        %get3A_418 = arith.constant 16 : index
        %get3A_419 = tpu.vector_load %arg8[%get3A_417, %get3A_418] {strides = array<i32>} : memref<800x32xf32, #tpu.memory_space<vmem>>, vector<1x16xf32>,
        %get3A_420 = vector.shape_cast %get3A_419 : vector<1x16xf32> to vector<16xf32>
        %add3A_421 = arith.addf %add3A_365, %get3A_420 : vector<16xf32>
        %add3A_422 = arith.constant 7 : i32
        %add3A_423 = arith.addi %add3A_323, %add3A_422 : i32
        %get3A_424 = arith.index_cast %add3A_423 : i32 to index
        %get3A_425 = arith.constant 0 : index
        %get3A_426 = tpu.vector_load %arg8[%get3A_424, %get3A_425] {strides = array<i32>} : memref<800x32xf32, #tpu.memory_space<vmem>>, vector<1x16xf32>,
        %get3A_427 = vector.shape_cast %get3A_426 : vector<1x16xf32> to vector<16xf32>
        %add3A_428 = arith.addf %add3A_372, %get3A_427 : vector<16xf32>
        %add3A_429 = arith.constant 7 : i32
        %add3A_430 = arith.addi %add3A_323, %add3A_429 : i32
        %get3A_431 = arith.index_cast %add3A_430 : i32 to index
        %get3A_432 = arith.constant 16 : index
        %get3A_433 = tpu.vector_load %arg8[%get3A_431, %get3A_432] {strides = array<i32>} : memref<800x32xf32, #tpu.memory_space<vmem>>, vector<1x16xf32>,
        %get3A_434 = vector.shape_cast %get3A_433 : vector<1x16xf32> to vector<16xf32>
        %add3A_435 = arith.addf %add3A_379, %get3A_434 : vector<16xf32>
        scf.yield %add3A_386, %add3A_393, %add3A_400, %add3A_407, %add3A_414, %add3A_421, %add3A_428, %add3A_435 : vector<16xf32>, vector<16xf32>, vector<16xf32>, vector<16xf32>, vector<16xf32>, vector<16xf32>, vector<16xf32>, vector<16xf32>
      }
      %scan3A_97 = arith.constant 25 : i32
      %add3A_98 = arith.addf %scan3A_96#0, %scan3A_96#2 : vector<16xf32>
      %add3A_99 = arith.addf %scan3A_96#4, %scan3A_96#6 : vector<16xf32>
      %add3A_100 = arith.addf %add3A_98, %add3A_99 : vector<16xf32>
      %add3A_101 = arith.addf %scan3A_96#1, %scan3A_96#3 : vector<16xf32>
      %add3A_102 = arith.addf %scan3A_96#5, %scan3A_96#7 : vector<16xf32>
      %add3A_103 = arith.addf %add3A_101, %add3A_102 : vector<16xf32>
      %mul3A_104 = arith.constant 4 : i32
      %mul3A_105 = arith.muli %add3A_16, %mul3A_104 : i32
      %add3A_106 = arith.constant 2 : i32
      %add3A_107 = arith.addi %mul3A_105, %add3A_106 : i32
      %get3A_108 = arith.index_cast %add3A_107 : i32 to index
      %get3A_109 = arith.constant 0 : index
      %get3A_110 = tpu.vector_load %arg7[%get3A_108, %get3A_109] {strides = array<i32>} : memref<128x16xf32, #tpu.memory_space<vmem>>, vector<1x16xf32>,
      %get3A_111 = vector.shape_cast %get3A_110 : vector<1x16xf32> to vector<16xf32>
      %div3A_112 = arith.divf %add3A_100, %get3A_111 : vector<16xf32>
      %swap3A_113 = arith.index_cast %add3A_107 : i32 to index
      %swap3A_114 = arith.constant 0 : index
      %swap3A_115 = tpu.vector_load %arg10[%swap3A_113, %swap3A_114] {strides = array<i32>} : memref<128x32xf32, #tpu.memory_space<vmem>>, vector<1x16xf32>,
      %swap3A_116 = vector.shape_cast %swap3A_115 : vector<1x16xf32> to vector<16xf32>
      %swap3A_117 = vector.shape_cast %div3A_112 : vector<16xf32> to vector<1x16xf32>
      tpu.vector_store %arg10[%swap3A_113, %swap3A_114], %swap3A_117 {strides = array<i32>} : memref<128x32xf32, #tpu.memory_space<vmem>>, vector<1x16xf32>,
      %div3A_118 = arith.divf %add3A_103, %get3A_111 : vector<16xf32>
      %swap3A_119 = arith.index_cast %add3A_107 : i32 to index
      %swap3A_120 = arith.constant 16 : index
      %swap3A_121 = tpu.vector_load %arg10[%swap3A_119, %swap3A_120] {strides = array<i32>} : memref<128x32xf32, #tpu.memory_space<vmem>>, vector<1x16xf32>,
      %swap3A_122 = vector.shape_cast %swap3A_121 : vector<1x16xf32> to vector<16xf32>
      %swap3A_123 = vector.shape_cast %div3A_118 : vector<16xf32> to vector<1x16xf32>
      tpu.vector_store %arg10[%swap3A_119, %swap3A_120], %swap3A_123 {strides = array<i32>} : memref<128x32xf32, #tpu.memory_space<vmem>>, vector<1x16xf32>,
      %broadcast_in_dim3A_124 = arith.constant 0.000000e+00 : f32
      %broadcast_in_dim3A_125 = vector.broadcast %broadcast_in_dim3A_124 : f32 to vector<16xf32>
      %scan3A_126 = arith.constant 0 : i32
      %scan3A_127 = arith.constant 25 : i32
      %scan3A_128 = arith.addi %scan3A_126, %scan3A_127 : i32
      %scan3A_129 = arith.constant 1 : i32
      %scan3A_130:8 = scf.for %scan3A_311 = %scan3A_126 to %scan3A_128 step %scan3A_129 iter_args(%scan3A_312 = %broadcast_in_dim3A_125, %scan3A_313 = %broadcast_in_dim3A_125, %scan3A_314 = %broadcast_in_dim3A_125, %scan3A_315 = %broadcast_in_dim3A_125, %scan3A_316 = %broadcast_in_dim3A_125, %scan3A_317 = %broadcast_in_dim3A_125, %scan3A_318 = %broadcast_in_dim3A_125, %scan3A_319 = %broadcast_in_dim3A_125) -> (vector<16xf32>, vector<16xf32>, vector<16xf32>, vector<16xf32>, vector<16xf32>, vector<16xf32>, vector<16xf32>, vector<16xf32>)  : i32 {
        %mul3A_320 = arith.constant 8 : i32
        %mul3A_321 = arith.muli %scan3A_311, %mul3A_320 : i32
        %add3A_322 = arith.constant 600 : i32
        %add3A_323 = arith.addi %add3A_322, %mul3A_321 : i32
        %add3A_324 = arith.constant 0 : i32
        %add3A_325 = arith.addi %add3A_323, %add3A_324 : i32
        %get3A_326 = arith.index_cast %add3A_325 : i32 to index
        %get3A_327 = arith.constant 0 : index
        %get3A_328 = tpu.vector_load %arg8[%get3A_326, %get3A_327] {strides = array<i32>} : memref<800x32xf32, #tpu.memory_space<vmem>>, vector<1x16xf32>,
        %get3A_329 = vector.shape_cast %get3A_328 : vector<1x16xf32> to vector<16xf32>
        %add3A_330 = arith.addf %scan3A_312, %get3A_329 : vector<16xf32>
        %add3A_331 = arith.constant 0 : i32
        %add3A_332 = arith.addi %add3A_323, %add3A_331 : i32
        %get3A_333 = arith.index_cast %add3A_332 : i32 to index
        %get3A_334 = arith.constant 16 : index
        %get3A_335 = tpu.vector_load %arg8[%get3A_333, %get3A_334] {strides = array<i32>} : memref<800x32xf32, #tpu.memory_space<vmem>>, vector<1x16xf32>,
        %get3A_336 = vector.shape_cast %get3A_335 : vector<1x16xf32> to vector<16xf32>
        %add3A_337 = arith.addf %scan3A_313, %get3A_336 : vector<16xf32>
        %add3A_338 = arith.constant 1 : i32
        %add3A_339 = arith.addi %add3A_323, %add3A_338 : i32
        %get3A_340 = arith.index_cast %add3A_339 : i32 to index
        %get3A_341 = arith.constant 0 : index
        %get3A_342 = tpu.vector_load %arg8[%get3A_340, %get3A_341] {strides = array<i32>} : memref<800x32xf32, #tpu.memory_space<vmem>>, vector<1x16xf32>,
        %get3A_343 = vector.shape_cast %get3A_342 : vector<1x16xf32> to vector<16xf32>
        %add3A_344 = arith.addf %scan3A_314, %get3A_343 : vector<16xf32>
        %add3A_345 = arith.constant 1 : i32
        %add3A_346 = arith.addi %add3A_323, %add3A_345 : i32
        %get3A_347 = arith.index_cast %add3A_346 : i32 to index
        %get3A_348 = arith.constant 16 : index
        %get3A_349 = tpu.vector_load %arg8[%get3A_347, %get3A_348] {strides = array<i32>} : memref<800x32xf32, #tpu.memory_space<vmem>>, vector<1x16xf32>,
        %get3A_350 = vector.shape_cast %get3A_349 : vector<1x16xf32> to vector<16xf32>
        %add3A_351 = arith.addf %scan3A_315, %get3A_350 : vector<16xf32>
        %add3A_352 = arith.constant 2 : i32
        %add3A_353 = arith.addi %add3A_323, %add3A_352 : i32
        %get3A_354 = arith.index_cast %add3A_353 : i32 to index
        %get3A_355 = arith.constant 0 : index
        %get3A_356 = tpu.vector_load %arg8[%get3A_354, %get3A_355] {strides = array<i32>} : memref<800x32xf32, #tpu.memory_space<vmem>>, vector<1x16xf32>,
        %get3A_357 = vector.shape_cast %get3A_356 : vector<1x16xf32> to vector<16xf32>
        %add3A_358 = arith.addf %scan3A_316, %get3A_357 : vector<16xf32>
        %add3A_359 = arith.constant 2 : i32
        %add3A_360 = arith.addi %add3A_323, %add3A_359 : i32
        %get3A_361 = arith.index_cast %add3A_360 : i32 to index
        %get3A_362 = arith.constant 16 : index
        %get3A_363 = tpu.vector_load %arg8[%get3A_361, %get3A_362] {strides = array<i32>} : memref<800x32xf32, #tpu.memory_space<vmem>>, vector<1x16xf32>,
        %get3A_364 = vector.shape_cast %get3A_363 : vector<1x16xf32> to vector<16xf32>
        %add3A_365 = arith.addf %scan3A_317, %get3A_364 : vector<16xf32>
        %add3A_366 = arith.constant 3 : i32
        %add3A_367 = arith.addi %add3A_323, %add3A_366 : i32
        %get3A_368 = arith.index_cast %add3A_367 : i32 to index
        %get3A_369 = arith.constant 0 : index
        %get3A_370 = tpu.vector_load %arg8[%get3A_368, %get3A_369] {strides = array<i32>} : memref<800x32xf32, #tpu.memory_space<vmem>>, vector<1x16xf32>,
        %get3A_371 = vector.shape_cast %get3A_370 : vector<1x16xf32> to vector<16xf32>
        %add3A_372 = arith.addf %scan3A_318, %get3A_371 : vector<16xf32>
        %add3A_373 = arith.constant 3 : i32
        %add3A_374 = arith.addi %add3A_323, %add3A_373 : i32
        %get3A_375 = arith.index_cast %add3A_374 : i32 to index
        %get3A_376 = arith.constant 16 : index
        %get3A_377 = tpu.vector_load %arg8[%get3A_375, %get3A_376] {strides = array<i32>} : memref<800x32xf32, #tpu.memory_space<vmem>>, vector<1x16xf32>,
        %get3A_378 = vector.shape_cast %get3A_377 : vector<1x16xf32> to vector<16xf32>
        %add3A_379 = arith.addf %scan3A_319, %get3A_378 : vector<16xf32>
        %add3A_380 = arith.constant 4 : i32
        %add3A_381 = arith.addi %add3A_323, %add3A_380 : i32
        %get3A_382 = arith.index_cast %add3A_381 : i32 to index
        %get3A_383 = arith.constant 0 : index
        %get3A_384 = tpu.vector_load %arg8[%get3A_382, %get3A_383] {strides = array<i32>} : memref<800x32xf32, #tpu.memory_space<vmem>>, vector<1x16xf32>,
        %get3A_385 = vector.shape_cast %get3A_384 : vector<1x16xf32> to vector<16xf32>
        %add3A_386 = arith.addf %add3A_330, %get3A_385 : vector<16xf32>
        %add3A_387 = arith.constant 4 : i32
        %add3A_388 = arith.addi %add3A_323, %add3A_387 : i32
        %get3A_389 = arith.index_cast %add3A_388 : i32 to index
        %get3A_390 = arith.constant 16 : index
        %get3A_391 = tpu.vector_load %arg8[%get3A_389, %get3A_390] {strides = array<i32>} : memref<800x32xf32, #tpu.memory_space<vmem>>, vector<1x16xf32>,
        %get3A_392 = vector.shape_cast %get3A_391 : vector<1x16xf32> to vector<16xf32>
        %add3A_393 = arith.addf %add3A_337, %get3A_392 : vector<16xf32>
        %add3A_394 = arith.constant 5 : i32
        %add3A_395 = arith.addi %add3A_323, %add3A_394 : i32
        %get3A_396 = arith.index_cast %add3A_395 : i32 to index
        %get3A_397 = arith.constant 0 : index
        %get3A_398 = tpu.vector_load %arg8[%get3A_396, %get3A_397] {strides = array<i32>} : memref<800x32xf32, #tpu.memory_space<vmem>>, vector<1x16xf32>,
        %get3A_399 = vector.shape_cast %get3A_398 : vector<1x16xf32> to vector<16xf32>
        %add3A_400 = arith.addf %add3A_344, %get3A_399 : vector<16xf32>
        %add3A_401 = arith.constant 5 : i32
        %add3A_402 = arith.addi %add3A_323, %add3A_401 : i32
        %get3A_403 = arith.index_cast %add3A_402 : i32 to index
        %get3A_404 = arith.constant 16 : index
        %get3A_405 = tpu.vector_load %arg8[%get3A_403, %get3A_404] {strides = array<i32>} : memref<800x32xf32, #tpu.memory_space<vmem>>, vector<1x16xf32>,
        %get3A_406 = vector.shape_cast %get3A_405 : vector<1x16xf32> to vector<16xf32>
        %add3A_407 = arith.addf %add3A_351, %get3A_406 : vector<16xf32>
        %add3A_408 = arith.constant 6 : i32
        %add3A_409 = arith.addi %add3A_323, %add3A_408 : i32
        %get3A_410 = arith.index_cast %add3A_409 : i32 to index
        %get3A_411 = arith.constant 0 : index
        %get3A_412 = tpu.vector_load %arg8[%get3A_410, %get3A_411] {strides = array<i32>} : memref<800x32xf32, #tpu.memory_space<vmem>>, vector<1x16xf32>,
        %get3A_413 = vector.shape_cast %get3A_412 : vector<1x16xf32> to vector<16xf32>
        %add3A_414 = arith.addf %add3A_358, %get3A_413 : vector<16xf32>
        %add3A_415 = arith.constant 6 : i32
        %add3A_416 = arith.addi %add3A_323, %add3A_415 : i32
        %get3A_417 = arith.index_cast %add3A_416 : i32 to index
        %get3A_418 = arith.constant 16 : index
        %get3A_419 = tpu.vector_load %arg8[%get3A_417, %get3A_418] {strides = array<i32>} : memref<800x32xf32, #tpu.memory_space<vmem>>, vector<1x16xf32>,
        %get3A_420 = vector.shape_cast %get3A_419 : vector<1x16xf32> to vector<16xf32>
        %add3A_421 = arith.addf %add3A_365, %get3A_420 : vector<16xf32>
        %add3A_422 = arith.constant 7 : i32
        %add3A_423 = arith.addi %add3A_323, %add3A_422 : i32
        %get3A_424 = arith.index_cast %add3A_423 : i32 to index
        %get3A_425 = arith.constant 0 : index
        %get3A_426 = tpu.vector_load %arg8[%get3A_424, %get3A_425] {strides = array<i32>} : memref<800x32xf32, #tpu.memory_space<vmem>>, vector<1x16xf32>,
        %get3A_427 = vector.shape_cast %get3A_426 : vector<1x16xf32> to vector<16xf32>
        %add3A_428 = arith.addf %add3A_372, %get3A_427 : vector<16xf32>
        %add3A_429 = arith.constant 7 : i32
        %add3A_430 = arith.addi %add3A_323, %add3A_429 : i32
        %get3A_431 = arith.index_cast %add3A_430 : i32 to index
        %get3A_432 = arith.constant 16 : index
        %get3A_433 = tpu.vector_load %arg8[%get3A_431, %get3A_432] {strides = array<i32>} : memref<800x32xf32, #tpu.memory_space<vmem>>, vector<1x16xf32>,
        %get3A_434 = vector.shape_cast %get3A_433 : vector<1x16xf32> to vector<16xf32>
        %add3A_435 = arith.addf %add3A_379, %get3A_434 : vector<16xf32>
        scf.yield %add3A_386, %add3A_393, %add3A_400, %add3A_407, %add3A_414, %add3A_421, %add3A_428, %add3A_435 : vector<16xf32>, vector<16xf32>, vector<16xf32>, vector<16xf32>, vector<16xf32>, vector<16xf32>, vector<16xf32>, vector<16xf32>
      }
      %scan3A_131 = arith.constant 25 : i32
      %add3A_132 = arith.addf %scan3A_130#0, %scan3A_130#2 : vector<16xf32>
      %add3A_133 = arith.addf %scan3A_130#4, %scan3A_130#6 : vector<16xf32>
      %add3A_134 = arith.addf %add3A_132, %add3A_133 : vector<16xf32>
      %add3A_135 = arith.addf %scan3A_130#1, %scan3A_130#3 : vector<16xf32>
      %add3A_136 = arith.addf %scan3A_130#5, %scan3A_130#7 : vector<16xf32>
      %add3A_137 = arith.addf %add3A_135, %add3A_136 : vector<16xf32>
      %mul3A_138 = arith.constant 4 : i32
      %mul3A_139 = arith.muli %add3A_16, %mul3A_138 : i32
      %add3A_140 = arith.constant 3 : i32
      %add3A_141 = arith.addi %mul3A_139, %add3A_140 : i32
      %get3A_142 = arith.index_cast %add3A_141 : i32 to index
      %get3A_143 = arith.constant 0 : index
      %get3A_144 = tpu.vector_load %arg7[%get3A_142, %get3A_143] {strides = array<i32>} : memref<128x16xf32, #tpu.memory_space<vmem>>, vector<1x16xf32>,
      %get3A_145 = vector.shape_cast %get3A_144 : vector<1x16xf32> to vector<16xf32>
      %div3A_146 = arith.divf %add3A_134, %get3A_145 : vector<16xf32>
      %swap3A_147 = arith.index_cast %add3A_141 : i32 to index
      %swap3A_148 = arith.constant 0 : index
      %swap3A_149 = tpu.vector_load %arg10[%swap3A_147, %swap3A_148] {strides = array<i32>} : memref<128x32xf32, #tpu.memory_space<vmem>>, vector<1x16xf32>,
      %swap3A_150 = vector.shape_cast %swap3A_149 : vector<1x16xf32> to vector<16xf32>
      %swap3A_151 = vector.shape_cast %div3A_146 : vector<16xf32> to vector<1x16xf32>
      tpu.vector_store %arg10[%swap3A_147, %swap3A_148], %swap3A_151 {strides = array<i32>} : memref<128x32xf32, #tpu.memory_space<vmem>>, vector<1x16xf32>,
      %div3A_152 = arith.divf %add3A_137, %get3A_145 : vector<16xf32>
      %swap3A_153 = arith.index_cast %add3A_141 : i32 to index
      %swap3A_154 = arith.constant 16 : index
      %swap3A_155 = tpu.vector_load %arg10[%swap3A_153, %swap3A_154] {strides = array<i32>} : memref<128x32xf32, #tpu.memory_space<vmem>>, vector<1x16xf32>,
      %swap3A_156 = vector.shape_cast %swap3A_155 : vector<1x16xf32> to vector<16xf32>
      %swap3A_157 = vector.shape_cast %div3A_152 : vector<16xf32> to vector<1x16xf32>
      tpu.vector_store %arg10[%swap3A_153, %swap3A_154], %swap3A_157 {strides = array<i32>} : memref<128x32xf32, #tpu.memory_space<vmem>>, vector<1x16xf32>,
      %mul3A_158 = arith.constant 2 : i32
      %mul3A_159 = arith.muli %mul3A_158, %scan3A_12 : i32
      %add3A_160 = arith.constant 1 : i32
      %add3A_161 = arith.addi %mul3A_159, %add3A_160 : i32
      %add3A_162 = arith.constant 1 : i32
      %add3A_163 = arith.addi %add3A_161, %add3A_162 : i32
      %lt3A_164 = arith.constant 32 : i32
      %lt3A_165 = arith.cmpi slt, %add3A_163, %lt3A_164 : i32
      %convert_element_type3A_166 = arith.extui %lt3A_165 : i1 to i32
      %cond3A_167 = arith.constant 0 : i32
      %cond3A_168 = arith.cmpi ne, %convert_element_type3A_166, %cond3A_167 : i32
      scf.if %cond3A_168 {
        %add3A_311 = arith.constant 1 : i32
        %add3A_312 = arith.addi %add3A_161, %add3A_311 : i32
        %mul3A_313 = arith.constant 800 : i32
        %mul3A_314 = arith.muli %add3A_312, %mul3A_313 : i32
        %dma_start3A_315 = tpu.memref_slice %arg6[%mul3A_314] : memref<25600xi32, #tpu.memory_space<vmem>> -> memref<800xi32, #tpu.memory_space<vmem>>
        %dma_start3A_316 = arith.constant 0 : i32
        %dma_start3A_317 = arith.constant 0 : i32
        %dma_start3A_318 = tpu.memref_slice %arg4[%dma_start3A_316, %dma_start3A_317] : memref<1000064x32xf32, #tpu.memory_space<hbm>> -> memref<1000064x32xf32, #tpu.memory_space<hbm>>
        tpu.enqueue_indirect_dma source(%dma_start3A_318 : memref<1000064x32xf32, #tpu.memory_space<hbm>>) target(%arg8 : memref<800x32xf32, #tpu.memory_space<vmem>>) offsets(%dma_start3A_315 : memref<800xi32, #tpu.memory_space<vmem>>) semaphore(%arg11 : memref<!tpu.dma_semaphore, #tpu.memory_space<semaphore_mem>>)
      } else {
      }
      %mul3A_169 = arith.constant 800 : i32
      %mul3A_170 = arith.muli %add3A_161, %mul3A_169 : i32
      %dma_wait3A_171 = tpu.memref_slice %arg6[%mul3A_170] : memref<25600xi32, #tpu.memory_space<vmem>> -> memref<800xi32, #tpu.memory_space<vmem>>
      %dma_wait3A_172 = arith.constant 0 : i32
      %dma_wait3A_173 = arith.constant 0 : i32
      %dma_wait3A_174 = tpu.memref_slice %arg4[%dma_wait3A_172, %dma_wait3A_173] : memref<1000064x32xf32, #tpu.memory_space<hbm>> -> memref<1000064x32xf32, #tpu.memory_space<hbm>>
      tpu.wait_indirect_dma semaphore(%arg12 : memref<!tpu.dma_semaphore, #tpu.memory_space<semaphore_mem>>) src(%dma_wait3A_174 : memref<1000064x32xf32, #tpu.memory_space<hbm>>) dst(%arg9 : memref<800x32xf32, #tpu.memory_space<vmem>>)
      %broadcast_in_dim3A_175 = arith.constant 0.000000e+00 : f32
      %broadcast_in_dim3A_176 = vector.broadcast %broadcast_in_dim3A_175 : f32 to vector<16xf32>
      %scan3A_177 = arith.constant 0 : i32
      %scan3A_178 = arith.constant 25 : i32
      %scan3A_179 = arith.addi %scan3A_177, %scan3A_178 : i32
      %scan3A_180 = arith.constant 1 : i32
      %scan3A_181:8 = scf.for %scan3A_311 = %scan3A_177 to %scan3A_179 step %scan3A_180 iter_args(%scan3A_312 = %broadcast_in_dim3A_176, %scan3A_313 = %broadcast_in_dim3A_176, %scan3A_314 = %broadcast_in_dim3A_176, %scan3A_315 = %broadcast_in_dim3A_176, %scan3A_316 = %broadcast_in_dim3A_176, %scan3A_317 = %broadcast_in_dim3A_176, %scan3A_318 = %broadcast_in_dim3A_176, %scan3A_319 = %broadcast_in_dim3A_176) -> (vector<16xf32>, vector<16xf32>, vector<16xf32>, vector<16xf32>, vector<16xf32>, vector<16xf32>, vector<16xf32>, vector<16xf32>)  : i32 {
        %mul3A_320 = arith.constant 8 : i32
        %mul3A_321 = arith.muli %scan3A_311, %mul3A_320 : i32
        %add3A_322 = arith.constant 0 : i32
        %add3A_323 = arith.addi %add3A_322, %mul3A_321 : i32
        %add3A_324 = arith.constant 0 : i32
        %add3A_325 = arith.addi %add3A_323, %add3A_324 : i32
        %get3A_326 = arith.index_cast %add3A_325 : i32 to index
        %get3A_327 = arith.constant 0 : index
        %get3A_328 = tpu.vector_load %arg9[%get3A_326, %get3A_327] {strides = array<i32>} : memref<800x32xf32, #tpu.memory_space<vmem>>, vector<1x16xf32>,
        %get3A_329 = vector.shape_cast %get3A_328 : vector<1x16xf32> to vector<16xf32>
        %add3A_330 = arith.addf %scan3A_312, %get3A_329 : vector<16xf32>
        %add3A_331 = arith.constant 0 : i32
        %add3A_332 = arith.addi %add3A_323, %add3A_331 : i32
        %get3A_333 = arith.index_cast %add3A_332 : i32 to index
        %get3A_334 = arith.constant 16 : index
        %get3A_335 = tpu.vector_load %arg9[%get3A_333, %get3A_334] {strides = array<i32>} : memref<800x32xf32, #tpu.memory_space<vmem>>, vector<1x16xf32>,
        %get3A_336 = vector.shape_cast %get3A_335 : vector<1x16xf32> to vector<16xf32>
        %add3A_337 = arith.addf %scan3A_313, %get3A_336 : vector<16xf32>
        %add3A_338 = arith.constant 1 : i32
        %add3A_339 = arith.addi %add3A_323, %add3A_338 : i32
        %get3A_340 = arith.index_cast %add3A_339 : i32 to index
        %get3A_341 = arith.constant 0 : index
        %get3A_342 = tpu.vector_load %arg9[%get3A_340, %get3A_341] {strides = array<i32>} : memref<800x32xf32, #tpu.memory_space<vmem>>, vector<1x16xf32>,
        %get3A_343 = vector.shape_cast %get3A_342 : vector<1x16xf32> to vector<16xf32>
        %add3A_344 = arith.addf %scan3A_314, %get3A_343 : vector<16xf32>
        %add3A_345 = arith.constant 1 : i32
        %add3A_346 = arith.addi %add3A_323, %add3A_345 : i32
        %get3A_347 = arith.index_cast %add3A_346 : i32 to index
        %get3A_348 = arith.constant 16 : index
        %get3A_349 = tpu.vector_load %arg9[%get3A_347, %get3A_348] {strides = array<i32>} : memref<800x32xf32, #tpu.memory_space<vmem>>, vector<1x16xf32>,
        %get3A_350 = vector.shape_cast %get3A_349 : vector<1x16xf32> to vector<16xf32>
        %add3A_351 = arith.addf %scan3A_315, %get3A_350 : vector<16xf32>
        %add3A_352 = arith.constant 2 : i32
        %add3A_353 = arith.addi %add3A_323, %add3A_352 : i32
        %get3A_354 = arith.index_cast %add3A_353 : i32 to index
        %get3A_355 = arith.constant 0 : index
        %get3A_356 = tpu.vector_load %arg9[%get3A_354, %get3A_355] {strides = array<i32>} : memref<800x32xf32, #tpu.memory_space<vmem>>, vector<1x16xf32>,
        %get3A_357 = vector.shape_cast %get3A_356 : vector<1x16xf32> to vector<16xf32>
        %add3A_358 = arith.addf %scan3A_316, %get3A_357 : vector<16xf32>
        %add3A_359 = arith.constant 2 : i32
        %add3A_360 = arith.addi %add3A_323, %add3A_359 : i32
        %get3A_361 = arith.index_cast %add3A_360 : i32 to index
        %get3A_362 = arith.constant 16 : index
        %get3A_363 = tpu.vector_load %arg9[%get3A_361, %get3A_362] {strides = array<i32>} : memref<800x32xf32, #tpu.memory_space<vmem>>, vector<1x16xf32>,
        %get3A_364 = vector.shape_cast %get3A_363 : vector<1x16xf32> to vector<16xf32>
        %add3A_365 = arith.addf %scan3A_317, %get3A_364 : vector<16xf32>
        %add3A_366 = arith.constant 3 : i32
        %add3A_367 = arith.addi %add3A_323, %add3A_366 : i32
        %get3A_368 = arith.index_cast %add3A_367 : i32 to index
        %get3A_369 = arith.constant 0 : index
        %get3A_370 = tpu.vector_load %arg9[%get3A_368, %get3A_369] {strides = array<i32>} : memref<800x32xf32, #tpu.memory_space<vmem>>, vector<1x16xf32>,
        %get3A_371 = vector.shape_cast %get3A_370 : vector<1x16xf32> to vector<16xf32>
        %add3A_372 = arith.addf %scan3A_318, %get3A_371 : vector<16xf32>
        %add3A_373 = arith.constant 3 : i32
        %add3A_374 = arith.addi %add3A_323, %add3A_373 : i32
        %get3A_375 = arith.index_cast %add3A_374 : i32 to index
        %get3A_376 = arith.constant 16 : index
        %get3A_377 = tpu.vector_load %arg9[%get3A_375, %get3A_376] {strides = array<i32>} : memref<800x32xf32, #tpu.memory_space<vmem>>, vector<1x16xf32>,
        %get3A_378 = vector.shape_cast %get3A_377 : vector<1x16xf32> to vector<16xf32>
        %add3A_379 = arith.addf %scan3A_319, %get3A_378 : vector<16xf32>
        %add3A_380 = arith.constant 4 : i32
        %add3A_381 = arith.addi %add3A_323, %add3A_380 : i32
        %get3A_382 = arith.index_cast %add3A_381 : i32 to index
        %get3A_383 = arith.constant 0 : index
        %get3A_384 = tpu.vector_load %arg9[%get3A_382, %get3A_383] {strides = array<i32>} : memref<800x32xf32, #tpu.memory_space<vmem>>, vector<1x16xf32>,
        %get3A_385 = vector.shape_cast %get3A_384 : vector<1x16xf32> to vector<16xf32>
        %add3A_386 = arith.addf %add3A_330, %get3A_385 : vector<16xf32>
        %add3A_387 = arith.constant 4 : i32
        %add3A_388 = arith.addi %add3A_323, %add3A_387 : i32
        %get3A_389 = arith.index_cast %add3A_388 : i32 to index
        %get3A_390 = arith.constant 16 : index
        %get3A_391 = tpu.vector_load %arg9[%get3A_389, %get3A_390] {strides = array<i32>} : memref<800x32xf32, #tpu.memory_space<vmem>>, vector<1x16xf32>,
        %get3A_392 = vector.shape_cast %get3A_391 : vector<1x16xf32> to vector<16xf32>
        %add3A_393 = arith.addf %add3A_337, %get3A_392 : vector<16xf32>
        %add3A_394 = arith.constant 5 : i32
        %add3A_395 = arith.addi %add3A_323, %add3A_394 : i32
        %get3A_396 = arith.index_cast %add3A_395 : i32 to index
        %get3A_397 = arith.constant 0 : index
        %get3A_398 = tpu.vector_load %arg9[%get3A_396, %get3A_397] {strides = array<i32>} : memref<800x32xf32, #tpu.memory_space<vmem>>, vector<1x16xf32>,
        %get3A_399 = vector.shape_cast %get3A_398 : vector<1x16xf32> to vector<16xf32>
        %add3A_400 = arith.addf %add3A_344, %get3A_399 : vector<16xf32>
        %add3A_401 = arith.constant 5 : i32
        %add3A_402 = arith.addi %add3A_323, %add3A_401 : i32
        %get3A_403 = arith.index_cast %add3A_402 : i32 to index
        %get3A_404 = arith.constant 16 : index
        %get3A_405 = tpu.vector_load %arg9[%get3A_403, %get3A_404] {strides = array<i32>} : memref<800x32xf32, #tpu.memory_space<vmem>>, vector<1x16xf32>,
        %get3A_406 = vector.shape_cast %get3A_405 : vector<1x16xf32> to vector<16xf32>
        %add3A_407 = arith.addf %add3A_351, %get3A_406 : vector<16xf32>
        %add3A_408 = arith.constant 6 : i32
        %add3A_409 = arith.addi %add3A_323, %add3A_408 : i32
        %get3A_410 = arith.index_cast %add3A_409 : i32 to index
        %get3A_411 = arith.constant 0 : index
        %get3A_412 = tpu.vector_load %arg9[%get3A_410, %get3A_411] {strides = array<i32>} : memref<800x32xf32, #tpu.memory_space<vmem>>, vector<1x16xf32>,
        %get3A_413 = vector.shape_cast %get3A_412 : vector<1x16xf32> to vector<16xf32>
        %add3A_414 = arith.addf %add3A_358, %get3A_413 : vector<16xf32>
        %add3A_415 = arith.constant 6 : i32
        %add3A_416 = arith.addi %add3A_323, %add3A_415 : i32
        %get3A_417 = arith.index_cast %add3A_416 : i32 to index
        %get3A_418 = arith.constant 16 : index
        %get3A_419 = tpu.vector_load %arg9[%get3A_417, %get3A_418] {strides = array<i32>} : memref<800x32xf32, #tpu.memory_space<vmem>>, vector<1x16xf32>,
        %get3A_420 = vector.shape_cast %get3A_419 : vector<1x16xf32> to vector<16xf32>
        %add3A_421 = arith.addf %add3A_365, %get3A_420 : vector<16xf32>
        %add3A_422 = arith.constant 7 : i32
        %add3A_423 = arith.addi %add3A_323, %add3A_422 : i32
        %get3A_424 = arith.index_cast %add3A_423 : i32 to index
        %get3A_425 = arith.constant 0 : index
        %get3A_426 = tpu.vector_load %arg9[%get3A_424, %get3A_425] {strides = array<i32>} : memref<800x32xf32, #tpu.memory_space<vmem>>, vector<1x16xf32>,
        %get3A_427 = vector.shape_cast %get3A_426 : vector<1x16xf32> to vector<16xf32>
        %add3A_428 = arith.addf %add3A_372, %get3A_427 : vector<16xf32>
        %add3A_429 = arith.constant 7 : i32
        %add3A_430 = arith.addi %add3A_323, %add3A_429 : i32
        %get3A_431 = arith.index_cast %add3A_430 : i32 to index
        %get3A_432 = arith.constant 16 : index
        %get3A_433 = tpu.vector_load %arg9[%get3A_431, %get3A_432] {strides = array<i32>} : memref<800x32xf32, #tpu.memory_space<vmem>>, vector<1x16xf32>,
        %get3A_434 = vector.shape_cast %get3A_433 : vector<1x16xf32> to vector<16xf32>
        %add3A_435 = arith.addf %add3A_379, %get3A_434 : vector<16xf32>
        scf.yield %add3A_386, %add3A_393, %add3A_400, %add3A_407, %add3A_414, %add3A_421, %add3A_428, %add3A_435 : vector<16xf32>, vector<16xf32>, vector<16xf32>, vector<16xf32>, vector<16xf32>, vector<16xf32>, vector<16xf32>, vector<16xf32>
      }
      %scan3A_182 = arith.constant 25 : i32
      %add3A_183 = arith.addf %scan3A_181#0, %scan3A_181#2 : vector<16xf32>
      %add3A_184 = arith.addf %scan3A_181#4, %scan3A_181#6 : vector<16xf32>
      %add3A_185 = arith.addf %add3A_183, %add3A_184 : vector<16xf32>
      %add3A_186 = arith.addf %scan3A_181#1, %scan3A_181#3 : vector<16xf32>
      %add3A_187 = arith.addf %scan3A_181#5, %scan3A_181#7 : vector<16xf32>
      %add3A_188 = arith.addf %add3A_186, %add3A_187 : vector<16xf32>
      %mul3A_189 = arith.constant 4 : i32
      %mul3A_190 = arith.muli %add3A_161, %mul3A_189 : i32
      %add3A_191 = arith.constant 0 : i32
      %add3A_192 = arith.addi %mul3A_190, %add3A_191 : i32
      %get3A_193 = arith.index_cast %add3A_192 : i32 to index
      %get3A_194 = arith.constant 0 : index
      %get3A_195 = tpu.vector_load %arg7[%get3A_193, %get3A_194] {strides = array<i32>} : memref<128x16xf32, #tpu.memory_space<vmem>>, vector<1x16xf32>,
      %get3A_196 = vector.shape_cast %get3A_195 : vector<1x16xf32> to vector<16xf32>
      %div3A_197 = arith.divf %add3A_185, %get3A_196 : vector<16xf32>
      %swap3A_198 = arith.index_cast %add3A_192 : i32 to index
      %swap3A_199 = arith.constant 0 : index
      %swap3A_200 = tpu.vector_load %arg10[%swap3A_198, %swap3A_199] {strides = array<i32>} : memref<128x32xf32, #tpu.memory_space<vmem>>, vector<1x16xf32>,
      %swap3A_201 = vector.shape_cast %swap3A_200 : vector<1x16xf32> to vector<16xf32>
      %swap3A_202 = vector.shape_cast %div3A_197 : vector<16xf32> to vector<1x16xf32>
      tpu.vector_store %arg10[%swap3A_198, %swap3A_199], %swap3A_202 {strides = array<i32>} : memref<128x32xf32, #tpu.memory_space<vmem>>, vector<1x16xf32>,
      %div3A_203 = arith.divf %add3A_188, %get3A_196 : vector<16xf32>
      %swap3A_204 = arith.index_cast %add3A_192 : i32 to index
      %swap3A_205 = arith.constant 16 : index
      %swap3A_206 = tpu.vector_load %arg10[%swap3A_204, %swap3A_205] {strides = array<i32>} : memref<128x32xf32, #tpu.memory_space<vmem>>, vector<1x16xf32>,
      %swap3A_207 = vector.shape_cast %swap3A_206 : vector<1x16xf32> to vector<16xf32>
      %swap3A_208 = vector.shape_cast %div3A_203 : vector<16xf32> to vector<1x16xf32>
      tpu.vector_store %arg10[%swap3A_204, %swap3A_205], %swap3A_208 {strides = array<i32>} : memref<128x32xf32, #tpu.memory_space<vmem>>, vector<1x16xf32>,
      %broadcast_in_dim3A_209 = arith.constant 0.000000e+00 : f32
      %broadcast_in_dim3A_210 = vector.broadcast %broadcast_in_dim3A_209 : f32 to vector<16xf32>
      %scan3A_211 = arith.constant 0 : i32
      %scan3A_212 = arith.constant 25 : i32
      %scan3A_213 = arith.addi %scan3A_211, %scan3A_212 : i32
      %scan3A_214 = arith.constant 1 : i32
      %scan3A_215:8 = scf.for %scan3A_311 = %scan3A_211 to %scan3A_213 step %scan3A_214 iter_args(%scan3A_312 = %broadcast_in_dim3A_210, %scan3A_313 = %broadcast_in_dim3A_210, %scan3A_314 = %broadcast_in_dim3A_210, %scan3A_315 = %broadcast_in_dim3A_210, %scan3A_316 = %broadcast_in_dim3A_210, %scan3A_317 = %broadcast_in_dim3A_210, %scan3A_318 = %broadcast_in_dim3A_210, %scan3A_319 = %broadcast_in_dim3A_210) -> (vector<16xf32>, vector<16xf32>, vector<16xf32>, vector<16xf32>, vector<16xf32>, vector<16xf32>, vector<16xf32>, vector<16xf32>)  : i32 {
        %mul3A_320 = arith.constant 8 : i32
        %mul3A_321 = arith.muli %scan3A_311, %mul3A_320 : i32
        %add3A_322 = arith.constant 200 : i32
        %add3A_323 = arith.addi %add3A_322, %mul3A_321 : i32
        %add3A_324 = arith.constant 0 : i32
        %add3A_325 = arith.addi %add3A_323, %add3A_324 : i32
        %get3A_326 = arith.index_cast %add3A_325 : i32 to index
        %get3A_327 = arith.constant 0 : index
        %get3A_328 = tpu.vector_load %arg9[%get3A_326, %get3A_327] {strides = array<i32>} : memref<800x32xf32, #tpu.memory_space<vmem>>, vector<1x16xf32>,
        %get3A_329 = vector.shape_cast %get3A_328 : vector<1x16xf32> to vector<16xf32>
        %add3A_330 = arith.addf %scan3A_312, %get3A_329 : vector<16xf32>
        %add3A_331 = arith.constant 0 : i32
        %add3A_332 = arith.addi %add3A_323, %add3A_331 : i32
        %get3A_333 = arith.index_cast %add3A_332 : i32 to index
        %get3A_334 = arith.constant 16 : index
        %get3A_335 = tpu.vector_load %arg9[%get3A_333, %get3A_334] {strides = array<i32>} : memref<800x32xf32, #tpu.memory_space<vmem>>, vector<1x16xf32>,
        %get3A_336 = vector.shape_cast %get3A_335 : vector<1x16xf32> to vector<16xf32>
        %add3A_337 = arith.addf %scan3A_313, %get3A_336 : vector<16xf32>
        %add3A_338 = arith.constant 1 : i32
        %add3A_339 = arith.addi %add3A_323, %add3A_338 : i32
        %get3A_340 = arith.index_cast %add3A_339 : i32 to index
        %get3A_341 = arith.constant 0 : index
        %get3A_342 = tpu.vector_load %arg9[%get3A_340, %get3A_341] {strides = array<i32>} : memref<800x32xf32, #tpu.memory_space<vmem>>, vector<1x16xf32>,
        %get3A_343 = vector.shape_cast %get3A_342 : vector<1x16xf32> to vector<16xf32>
        %add3A_344 = arith.addf %scan3A_314, %get3A_343 : vector<16xf32>
        %add3A_345 = arith.constant 1 : i32
        %add3A_346 = arith.addi %add3A_323, %add3A_345 : i32
        %get3A_347 = arith.index_cast %add3A_346 : i32 to index
        %get3A_348 = arith.constant 16 : index
        %get3A_349 = tpu.vector_load %arg9[%get3A_347, %get3A_348] {strides = array<i32>} : memref<800x32xf32, #tpu.memory_space<vmem>>, vector<1x16xf32>,
        %get3A_350 = vector.shape_cast %get3A_349 : vector<1x16xf32> to vector<16xf32>
        %add3A_351 = arith.addf %scan3A_315, %get3A_350 : vector<16xf32>
        %add3A_352 = arith.constant 2 : i32
        %add3A_353 = arith.addi %add3A_323, %add3A_352 : i32
        %get3A_354 = arith.index_cast %add3A_353 : i32 to index
        %get3A_355 = arith.constant 0 : index
        %get3A_356 = tpu.vector_load %arg9[%get3A_354, %get3A_355] {strides = array<i32>} : memref<800x32xf32, #tpu.memory_space<vmem>>, vector<1x16xf32>,
        %get3A_357 = vector.shape_cast %get3A_356 : vector<1x16xf32> to vector<16xf32>
        %add3A_358 = arith.addf %scan3A_316, %get3A_357 : vector<16xf32>
        %add3A_359 = arith.constant 2 : i32
        %add3A_360 = arith.addi %add3A_323, %add3A_359 : i32
        %get3A_361 = arith.index_cast %add3A_360 : i32 to index
        %get3A_362 = arith.constant 16 : index
        %get3A_363 = tpu.vector_load %arg9[%get3A_361, %get3A_362] {strides = array<i32>} : memref<800x32xf32, #tpu.memory_space<vmem>>, vector<1x16xf32>,
        %get3A_364 = vector.shape_cast %get3A_363 : vector<1x16xf32> to vector<16xf32>
        %add3A_365 = arith.addf %scan3A_317, %get3A_364 : vector<16xf32>
        %add3A_366 = arith.constant 3 : i32
        %add3A_367 = arith.addi %add3A_323, %add3A_366 : i32
        %get3A_368 = arith.index_cast %add3A_367 : i32 to index
        %get3A_369 = arith.constant 0 : index
        %get3A_370 = tpu.vector_load %arg9[%get3A_368, %get3A_369] {strides = array<i32>} : memref<800x32xf32, #tpu.memory_space<vmem>>, vector<1x16xf32>,
        %get3A_371 = vector.shape_cast %get3A_370 : vector<1x16xf32> to vector<16xf32>
        %add3A_372 = arith.addf %scan3A_318, %get3A_371 : vector<16xf32>
        %add3A_373 = arith.constant 3 : i32
        %add3A_374 = arith.addi %add3A_323, %add3A_373 : i32
        %get3A_375 = arith.index_cast %add3A_374 : i32 to index
        %get3A_376 = arith.constant 16 : index
        %get3A_377 = tpu.vector_load %arg9[%get3A_375, %get3A_376] {strides = array<i32>} : memref<800x32xf32, #tpu.memory_space<vmem>>, vector<1x16xf32>,
        %get3A_378 = vector.shape_cast %get3A_377 : vector<1x16xf32> to vector<16xf32>
        %add3A_379 = arith.addf %scan3A_319, %get3A_378 : vector<16xf32>
        %add3A_380 = arith.constant 4 : i32
        %add3A_381 = arith.addi %add3A_323, %add3A_380 : i32
        %get3A_382 = arith.index_cast %add3A_381 : i32 to index
        %get3A_383 = arith.constant 0 : index
        %get3A_384 = tpu.vector_load %arg9[%get3A_382, %get3A_383] {strides = array<i32>} : memref<800x32xf32, #tpu.memory_space<vmem>>, vector<1x16xf32>,
        %get3A_385 = vector.shape_cast %get3A_384 : vector<1x16xf32> to vector<16xf32>
        %add3A_386 = arith.addf %add3A_330, %get3A_385 : vector<16xf32>
        %add3A_387 = arith.constant 4 : i32
        %add3A_388 = arith.addi %add3A_323, %add3A_387 : i32
        %get3A_389 = arith.index_cast %add3A_388 : i32 to index
        %get3A_390 = arith.constant 16 : index
        %get3A_391 = tpu.vector_load %arg9[%get3A_389, %get3A_390] {strides = array<i32>} : memref<800x32xf32, #tpu.memory_space<vmem>>, vector<1x16xf32>,
        %get3A_392 = vector.shape_cast %get3A_391 : vector<1x16xf32> to vector<16xf32>
        %add3A_393 = arith.addf %add3A_337, %get3A_392 : vector<16xf32>
        %add3A_394 = arith.constant 5 : i32
        %add3A_395 = arith.addi %add3A_323, %add3A_394 : i32
        %get3A_396 = arith.index_cast %add3A_395 : i32 to index
        %get3A_397 = arith.constant 0 : index
        %get3A_398 = tpu.vector_load %arg9[%get3A_396, %get3A_397] {strides = array<i32>} : memref<800x32xf32, #tpu.memory_space<vmem>>, vector<1x16xf32>,
        %get3A_399 = vector.shape_cast %get3A_398 : vector<1x16xf32> to vector<16xf32>
        %add3A_400 = arith.addf %add3A_344, %get3A_399 : vector<16xf32>
        %add3A_401 = arith.constant 5 : i32
        %add3A_402 = arith.addi %add3A_323, %add3A_401 : i32
        %get3A_403 = arith.index_cast %add3A_402 : i32 to index
        %get3A_404 = arith.constant 16 : index
        %get3A_405 = tpu.vector_load %arg9[%get3A_403, %get3A_404] {strides = array<i32>} : memref<800x32xf32, #tpu.memory_space<vmem>>, vector<1x16xf32>,
        %get3A_406 = vector.shape_cast %get3A_405 : vector<1x16xf32> to vector<16xf32>
        %add3A_407 = arith.addf %add3A_351, %get3A_406 : vector<16xf32>
        %add3A_408 = arith.constant 6 : i32
        %add3A_409 = arith.addi %add3A_323, %add3A_408 : i32
        %get3A_410 = arith.index_cast %add3A_409 : i32 to index
        %get3A_411 = arith.constant 0 : index
        %get3A_412 = tpu.vector_load %arg9[%get3A_410, %get3A_411] {strides = array<i32>} : memref<800x32xf32, #tpu.memory_space<vmem>>, vector<1x16xf32>,
        %get3A_413 = vector.shape_cast %get3A_412 : vector<1x16xf32> to vector<16xf32>
        %add3A_414 = arith.addf %add3A_358, %get3A_413 : vector<16xf32>
        %add3A_415 = arith.constant 6 : i32
        %add3A_416 = arith.addi %add3A_323, %add3A_415 : i32
        %get3A_417 = arith.index_cast %add3A_416 : i32 to index
        %get3A_418 = arith.constant 16 : index
        %get3A_419 = tpu.vector_load %arg9[%get3A_417, %get3A_418] {strides = array<i32>} : memref<800x32xf32, #tpu.memory_space<vmem>>, vector<1x16xf32>,
        %get3A_420 = vector.shape_cast %get3A_419 : vector<1x16xf32> to vector<16xf32>
        %add3A_421 = arith.addf %add3A_365, %get3A_420 : vector<16xf32>
        %add3A_422 = arith.constant 7 : i32
        %add3A_423 = arith.addi %add3A_323, %add3A_422 : i32
        %get3A_424 = arith.index_cast %add3A_423 : i32 to index
        %get3A_425 = arith.constant 0 : index
        %get3A_426 = tpu.vector_load %arg9[%get3A_424, %get3A_425] {strides = array<i32>} : memref<800x32xf32, #tpu.memory_space<vmem>>, vector<1x16xf32>,
        %get3A_427 = vector.shape_cast %get3A_426 : vector<1x16xf32> to vector<16xf32>
        %add3A_428 = arith.addf %add3A_372, %get3A_427 : vector<16xf32>
        %add3A_429 = arith.constant 7 : i32
        %add3A_430 = arith.addi %add3A_323, %add3A_429 : i32
        %get3A_431 = arith.index_cast %add3A_430 : i32 to index
        %get3A_432 = arith.constant 16 : index
        %get3A_433 = tpu.vector_load %arg9[%get3A_431, %get3A_432] {strides = array<i32>} : memref<800x32xf32, #tpu.memory_space<vmem>>, vector<1x16xf32>,
        %get3A_434 = vector.shape_cast %get3A_433 : vector<1x16xf32> to vector<16xf32>
        %add3A_435 = arith.addf %add3A_379, %get3A_434 : vector<16xf32>
        scf.yield %add3A_386, %add3A_393, %add3A_400, %add3A_407, %add3A_414, %add3A_421, %add3A_428, %add3A_435 : vector<16xf32>, vector<16xf32>, vector<16xf32>, vector<16xf32>, vector<16xf32>, vector<16xf32>, vector<16xf32>, vector<16xf32>
      }
      %scan3A_216 = arith.constant 25 : i32
      %add3A_217 = arith.addf %scan3A_215#0, %scan3A_215#2 : vector<16xf32>
      %add3A_218 = arith.addf %scan3A_215#4, %scan3A_215#6 : vector<16xf32>
      %add3A_219 = arith.addf %add3A_217, %add3A_218 : vector<16xf32>
      %add3A_220 = arith.addf %scan3A_215#1, %scan3A_215#3 : vector<16xf32>
      %add3A_221 = arith.addf %scan3A_215#5, %scan3A_215#7 : vector<16xf32>
      %add3A_222 = arith.addf %add3A_220, %add3A_221 : vector<16xf32>
      %mul3A_223 = arith.constant 4 : i32
      %mul3A_224 = arith.muli %add3A_161, %mul3A_223 : i32
      %add3A_225 = arith.constant 1 : i32
      %add3A_226 = arith.addi %mul3A_224, %add3A_225 : i32
      %get3A_227 = arith.index_cast %add3A_226 : i32 to index
      %get3A_228 = arith.constant 0 : index
      %get3A_229 = tpu.vector_load %arg7[%get3A_227, %get3A_228] {strides = array<i32>} : memref<128x16xf32, #tpu.memory_space<vmem>>, vector<1x16xf32>,
      %get3A_230 = vector.shape_cast %get3A_229 : vector<1x16xf32> to vector<16xf32>
      %div3A_231 = arith.divf %add3A_219, %get3A_230 : vector<16xf32>
      %swap3A_232 = arith.index_cast %add3A_226 : i32 to index
      %swap3A_233 = arith.constant 0 : index
      %swap3A_234 = tpu.vector_load %arg10[%swap3A_232, %swap3A_233] {strides = array<i32>} : memref<128x32xf32, #tpu.memory_space<vmem>>, vector<1x16xf32>,
      %swap3A_235 = vector.shape_cast %swap3A_234 : vector<1x16xf32> to vector<16xf32>
      %swap3A_236 = vector.shape_cast %div3A_231 : vector<16xf32> to vector<1x16xf32>
      tpu.vector_store %arg10[%swap3A_232, %swap3A_233], %swap3A_236 {strides = array<i32>} : memref<128x32xf32, #tpu.memory_space<vmem>>, vector<1x16xf32>,
      %div3A_237 = arith.divf %add3A_222, %get3A_230 : vector<16xf32>
      %swap3A_238 = arith.index_cast %add3A_226 : i32 to index
      %swap3A_239 = arith.constant 16 : index
      %swap3A_240 = tpu.vector_load %arg10[%swap3A_238, %swap3A_239] {strides = array<i32>} : memref<128x32xf32, #tpu.memory_space<vmem>>, vector<1x16xf32>,
      %swap3A_241 = vector.shape_cast %swap3A_240 : vector<1x16xf32> to vector<16xf32>
      %swap3A_242 = vector.shape_cast %div3A_237 : vector<16xf32> to vector<1x16xf32>
      tpu.vector_store %arg10[%swap3A_238, %swap3A_239], %swap3A_242 {strides = array<i32>} : memref<128x32xf32, #tpu.memory_space<vmem>>, vector<1x16xf32>,
      %broadcast_in_dim3A_243 = arith.constant 0.000000e+00 : f32
      %broadcast_in_dim3A_244 = vector.broadcast %broadcast_in_dim3A_243 : f32 to vector<16xf32>
      %scan3A_245 = arith.constant 0 : i32
      %scan3A_246 = arith.constant 25 : i32
      %scan3A_247 = arith.addi %scan3A_245, %scan3A_246 : i32
      %scan3A_248 = arith.constant 1 : i32
      %scan3A_249:8 = scf.for %scan3A_311 = %scan3A_245 to %scan3A_247 step %scan3A_248 iter_args(%scan3A_312 = %broadcast_in_dim3A_244, %scan3A_313 = %broadcast_in_dim3A_244, %scan3A_314 = %broadcast_in_dim3A_244, %scan3A_315 = %broadcast_in_dim3A_244, %scan3A_316 = %broadcast_in_dim3A_244, %scan3A_317 = %broadcast_in_dim3A_244, %scan3A_318 = %broadcast_in_dim3A_244, %scan3A_319 = %broadcast_in_dim3A_244) -> (vector<16xf32>, vector<16xf32>, vector<16xf32>, vector<16xf32>, vector<16xf32>, vector<16xf32>, vector<16xf32>, vector<16xf32>)  : i32 {
        %mul3A_320 = arith.constant 8 : i32
        %mul3A_321 = arith.muli %scan3A_311, %mul3A_320 : i32
        %add3A_322 = arith.constant 400 : i32
        %add3A_323 = arith.addi %add3A_322, %mul3A_321 : i32
        %add3A_324 = arith.constant 0 : i32
        %add3A_325 = arith.addi %add3A_323, %add3A_324 : i32
        %get3A_326 = arith.index_cast %add3A_325 : i32 to index
        %get3A_327 = arith.constant 0 : index
        %get3A_328 = tpu.vector_load %arg9[%get3A_326, %get3A_327] {strides = array<i32>} : memref<800x32xf32, #tpu.memory_space<vmem>>, vector<1x16xf32>,
        %get3A_329 = vector.shape_cast %get3A_328 : vector<1x16xf32> to vector<16xf32>
        %add3A_330 = arith.addf %scan3A_312, %get3A_329 : vector<16xf32>
        %add3A_331 = arith.constant 0 : i32
        %add3A_332 = arith.addi %add3A_323, %add3A_331 : i32
        %get3A_333 = arith.index_cast %add3A_332 : i32 to index
        %get3A_334 = arith.constant 16 : index
        %get3A_335 = tpu.vector_load %arg9[%get3A_333, %get3A_334] {strides = array<i32>} : memref<800x32xf32, #tpu.memory_space<vmem>>, vector<1x16xf32>,
        %get3A_336 = vector.shape_cast %get3A_335 : vector<1x16xf32> to vector<16xf32>
        %add3A_337 = arith.addf %scan3A_313, %get3A_336 : vector<16xf32>
        %add3A_338 = arith.constant 1 : i32
        %add3A_339 = arith.addi %add3A_323, %add3A_338 : i32
        %get3A_340 = arith.index_cast %add3A_339 : i32 to index
        %get3A_341 = arith.constant 0 : index
        %get3A_342 = tpu.vector_load %arg9[%get3A_340, %get3A_341] {strides = array<i32>} : memref<800x32xf32, #tpu.memory_space<vmem>>, vector<1x16xf32>,
        %get3A_343 = vector.shape_cast %get3A_342 : vector<1x16xf32> to vector<16xf32>
        %add3A_344 = arith.addf %scan3A_314, %get3A_343 : vector<16xf32>
        %add3A_345 = arith.constant 1 : i32
        %add3A_346 = arith.addi %add3A_323, %add3A_345 : i32
        %get3A_347 = arith.index_cast %add3A_346 : i32 to index
        %get3A_348 = arith.constant 16 : index
        %get3A_349 = tpu.vector_load %arg9[%get3A_347, %get3A_348] {strides = array<i32>} : memref<800x32xf32, #tpu.memory_space<vmem>>, vector<1x16xf32>,
        %get3A_350 = vector.shape_cast %get3A_349 : vector<1x16xf32> to vector<16xf32>
        %add3A_351 = arith.addf %scan3A_315, %get3A_350 : vector<16xf32>
        %add3A_352 = arith.constant 2 : i32
        %add3A_353 = arith.addi %add3A_323, %add3A_352 : i32
        %get3A_354 = arith.index_cast %add3A_353 : i32 to index
        %get3A_355 = arith.constant 0 : index
        %get3A_356 = tpu.vector_load %arg9[%get3A_354, %get3A_355] {strides = array<i32>} : memref<800x32xf32, #tpu.memory_space<vmem>>, vector<1x16xf32>,
        %get3A_357 = vector.shape_cast %get3A_356 : vector<1x16xf32> to vector<16xf32>
        %add3A_358 = arith.addf %scan3A_316, %get3A_357 : vector<16xf32>
        %add3A_359 = arith.constant 2 : i32
        %add3A_360 = arith.addi %add3A_323, %add3A_359 : i32
        %get3A_361 = arith.index_cast %add3A_360 : i32 to index
        %get3A_362 = arith.constant 16 : index
        %get3A_363 = tpu.vector_load %arg9[%get3A_361, %get3A_362] {strides = array<i32>} : memref<800x32xf32, #tpu.memory_space<vmem>>, vector<1x16xf32>,
        %get3A_364 = vector.shape_cast %get3A_363 : vector<1x16xf32> to vector<16xf32>
        %add3A_365 = arith.addf %scan3A_317, %get3A_364 : vector<16xf32>
        %add3A_366 = arith.constant 3 : i32
        %add3A_367 = arith.addi %add3A_323, %add3A_366 : i32
        %get3A_368 = arith.index_cast %add3A_367 : i32 to index
        %get3A_369 = arith.constant 0 : index
        %get3A_370 = tpu.vector_load %arg9[%get3A_368, %get3A_369] {strides = array<i32>} : memref<800x32xf32, #tpu.memory_space<vmem>>, vector<1x16xf32>,
        %get3A_371 = vector.shape_cast %get3A_370 : vector<1x16xf32> to vector<16xf32>
        %add3A_372 = arith.addf %scan3A_318, %get3A_371 : vector<16xf32>
        %add3A_373 = arith.constant 3 : i32
        %add3A_374 = arith.addi %add3A_323, %add3A_373 : i32
        %get3A_375 = arith.index_cast %add3A_374 : i32 to index
        %get3A_376 = arith.constant 16 : index
        %get3A_377 = tpu.vector_load %arg9[%get3A_375, %get3A_376] {strides = array<i32>} : memref<800x32xf32, #tpu.memory_space<vmem>>, vector<1x16xf32>,
        %get3A_378 = vector.shape_cast %get3A_377 : vector<1x16xf32> to vector<16xf32>
        %add3A_379 = arith.addf %scan3A_319, %get3A_378 : vector<16xf32>
        %add3A_380 = arith.constant 4 : i32
        %add3A_381 = arith.addi %add3A_323, %add3A_380 : i32
        %get3A_382 = arith.index_cast %add3A_381 : i32 to index
        %get3A_383 = arith.constant 0 : index
        %get3A_384 = tpu.vector_load %arg9[%get3A_382, %get3A_383] {strides = array<i32>} : memref<800x32xf32, #tpu.memory_space<vmem>>, vector<1x16xf32>,
        %get3A_385 = vector.shape_cast %get3A_384 : vector<1x16xf32> to vector<16xf32>
        %add3A_386 = arith.addf %add3A_330, %get3A_385 : vector<16xf32>
        %add3A_387 = arith.constant 4 : i32
        %add3A_388 = arith.addi %add3A_323, %add3A_387 : i32
        %get3A_389 = arith.index_cast %add3A_388 : i32 to index
        %get3A_390 = arith.constant 16 : index
        %get3A_391 = tpu.vector_load %arg9[%get3A_389, %get3A_390] {strides = array<i32>} : memref<800x32xf32, #tpu.memory_space<vmem>>, vector<1x16xf32>,
        %get3A_392 = vector.shape_cast %get3A_391 : vector<1x16xf32> to vector<16xf32>
        %add3A_393 = arith.addf %add3A_337, %get3A_392 : vector<16xf32>
        %add3A_394 = arith.constant 5 : i32
        %add3A_395 = arith.addi %add3A_323, %add3A_394 : i32
        %get3A_396 = arith.index_cast %add3A_395 : i32 to index
        %get3A_397 = arith.constant 0 : index
        %get3A_398 = tpu.vector_load %arg9[%get3A_396, %get3A_397] {strides = array<i32>} : memref<800x32xf32, #tpu.memory_space<vmem>>, vector<1x16xf32>,
        %get3A_399 = vector.shape_cast %get3A_398 : vector<1x16xf32> to vector<16xf32>
        %add3A_400 = arith.addf %add3A_344, %get3A_399 : vector<16xf32>
        %add3A_401 = arith.constant 5 : i32
        %add3A_402 = arith.addi %add3A_323, %add3A_401 : i32
        %get3A_403 = arith.index_cast %add3A_402 : i32 to index
        %get3A_404 = arith.constant 16 : index
        %get3A_405 = tpu.vector_load %arg9[%get3A_403, %get3A_404] {strides = array<i32>} : memref<800x32xf32, #tpu.memory_space<vmem>>, vector<1x16xf32>,
        %get3A_406 = vector.shape_cast %get3A_405 : vector<1x16xf32> to vector<16xf32>
        %add3A_407 = arith.addf %add3A_351, %get3A_406 : vector<16xf32>
        %add3A_408 = arith.constant 6 : i32
        %add3A_409 = arith.addi %add3A_323, %add3A_408 : i32
        %get3A_410 = arith.index_cast %add3A_409 : i32 to index
        %get3A_411 = arith.constant 0 : index
        %get3A_412 = tpu.vector_load %arg9[%get3A_410, %get3A_411] {strides = array<i32>} : memref<800x32xf32, #tpu.memory_space<vmem>>, vector<1x16xf32>,
        %get3A_413 = vector.shape_cast %get3A_412 : vector<1x16xf32> to vector<16xf32>
        %add3A_414 = arith.addf %add3A_358, %get3A_413 : vector<16xf32>
        %add3A_415 = arith.constant 6 : i32
        %add3A_416 = arith.addi %add3A_323, %add3A_415 : i32
        %get3A_417 = arith.index_cast %add3A_416 : i32 to index
        %get3A_418 = arith.constant 16 : index
        %get3A_419 = tpu.vector_load %arg9[%get3A_417, %get3A_418] {strides = array<i32>} : memref<800x32xf32, #tpu.memory_space<vmem>>, vector<1x16xf32>,
        %get3A_420 = vector.shape_cast %get3A_419 : vector<1x16xf32> to vector<16xf32>
        %add3A_421 = arith.addf %add3A_365, %get3A_420 : vector<16xf32>
        %add3A_422 = arith.constant 7 : i32
        %add3A_423 = arith.addi %add3A_323, %add3A_422 : i32
        %get3A_424 = arith.index_cast %add3A_423 : i32 to index
        %get3A_425 = arith.constant 0 : index
        %get3A_426 = tpu.vector_load %arg9[%get3A_424, %get3A_425] {strides = array<i32>} : memref<800x32xf32, #tpu.memory_space<vmem>>, vector<1x16xf32>,
        %get3A_427 = vector.shape_cast %get3A_426 : vector<1x16xf32> to vector<16xf32>
        %add3A_428 = arith.addf %add3A_372, %get3A_427 : vector<16xf32>
        %add3A_429 = arith.constant 7 : i32
        %add3A_430 = arith.addi %add3A_323, %add3A_429 : i32
        %get3A_431 = arith.index_cast %add3A_430 : i32 to index
        %get3A_432 = arith.constant 16 : index
        %get3A_433 = tpu.vector_load %arg9[%get3A_431, %get3A_432] {strides = array<i32>} : memref<800x32xf32, #tpu.memory_space<vmem>>, vector<1x16xf32>,
        %get3A_434 = vector.shape_cast %get3A_433 : vector<1x16xf32> to vector<16xf32>
        %add3A_435 = arith.addf %add3A_379, %get3A_434 : vector<16xf32>
        scf.yield %add3A_386, %add3A_393, %add3A_400, %add3A_407, %add3A_414, %add3A_421, %add3A_428, %add3A_435 : vector<16xf32>, vector<16xf32>, vector<16xf32>, vector<16xf32>, vector<16xf32>, vector<16xf32>, vector<16xf32>, vector<16xf32>
      }
      %scan3A_250 = arith.constant 25 : i32
      %add3A_251 = arith.addf %scan3A_249#0, %scan3A_249#2 : vector<16xf32>
      %add3A_252 = arith.addf %scan3A_249#4, %scan3A_249#6 : vector<16xf32>
      %add3A_253 = arith.addf %add3A_251, %add3A_252 : vector<16xf32>
      %add3A_254 = arith.addf %scan3A_249#1, %scan3A_249#3 : vector<16xf32>
      %add3A_255 = arith.addf %scan3A_249#5, %scan3A_249#7 : vector<16xf32>
      %add3A_256 = arith.addf %add3A_254, %add3A_255 : vector<16xf32>
      %mul3A_257 = arith.constant 4 : i32
      %mul3A_258 = arith.muli %add3A_161, %mul3A_257 : i32
      %add3A_259 = arith.constant 2 : i32
      %add3A_260 = arith.addi %mul3A_258, %add3A_259 : i32
      %get3A_261 = arith.index_cast %add3A_260 : i32 to index
      %get3A_262 = arith.constant 0 : index
      %get3A_263 = tpu.vector_load %arg7[%get3A_261, %get3A_262] {strides = array<i32>} : memref<128x16xf32, #tpu.memory_space<vmem>>, vector<1x16xf32>,
      %get3A_264 = vector.shape_cast %get3A_263 : vector<1x16xf32> to vector<16xf32>
      %div3A_265 = arith.divf %add3A_253, %get3A_264 : vector<16xf32>
      %swap3A_266 = arith.index_cast %add3A_260 : i32 to index
      %swap3A_267 = arith.constant 0 : index
      %swap3A_268 = tpu.vector_load %arg10[%swap3A_266, %swap3A_267] {strides = array<i32>} : memref<128x32xf32, #tpu.memory_space<vmem>>, vector<1x16xf32>,
      %swap3A_269 = vector.shape_cast %swap3A_268 : vector<1x16xf32> to vector<16xf32>
      %swap3A_270 = vector.shape_cast %div3A_265 : vector<16xf32> to vector<1x16xf32>
      tpu.vector_store %arg10[%swap3A_266, %swap3A_267], %swap3A_270 {strides = array<i32>} : memref<128x32xf32, #tpu.memory_space<vmem>>, vector<1x16xf32>,
      %div3A_271 = arith.divf %add3A_256, %get3A_264 : vector<16xf32>
      %swap3A_272 = arith.index_cast %add3A_260 : i32 to index
      %swap3A_273 = arith.constant 16 : index
      %swap3A_274 = tpu.vector_load %arg10[%swap3A_272, %swap3A_273] {strides = array<i32>} : memref<128x32xf32, #tpu.memory_space<vmem>>, vector<1x16xf32>,
      %swap3A_275 = vector.shape_cast %swap3A_274 : vector<1x16xf32> to vector<16xf32>
      %swap3A_276 = vector.shape_cast %div3A_271 : vector<16xf32> to vector<1x16xf32>
      tpu.vector_store %arg10[%swap3A_272, %swap3A_273], %swap3A_276 {strides = array<i32>} : memref<128x32xf32, #tpu.memory_space<vmem>>, vector<1x16xf32>,
      %broadcast_in_dim3A_277 = arith.constant 0.000000e+00 : f32
      %broadcast_in_dim3A_278 = vector.broadcast %broadcast_in_dim3A_277 : f32 to vector<16xf32>
      %scan3A_279 = arith.constant 0 : i32
      %scan3A_280 = arith.constant 25 : i32
      %scan3A_281 = arith.addi %scan3A_279, %scan3A_280 : i32
      %scan3A_282 = arith.constant 1 : i32
      %scan3A_283:8 = scf.for %scan3A_311 = %scan3A_279 to %scan3A_281 step %scan3A_282 iter_args(%scan3A_312 = %broadcast_in_dim3A_278, %scan3A_313 = %broadcast_in_dim3A_278, %scan3A_314 = %broadcast_in_dim3A_278, %scan3A_315 = %broadcast_in_dim3A_278, %scan3A_316 = %broadcast_in_dim3A_278, %scan3A_317 = %broadcast_in_dim3A_278, %scan3A_318 = %broadcast_in_dim3A_278, %scan3A_319 = %broadcast_in_dim3A_278) -> (vector<16xf32>, vector<16xf32>, vector<16xf32>, vector<16xf32>, vector<16xf32>, vector<16xf32>, vector<16xf32>, vector<16xf32>)  : i32 {
        %mul3A_320 = arith.constant 8 : i32
        %mul3A_321 = arith.muli %scan3A_311, %mul3A_320 : i32
        %add3A_322 = arith.constant 600 : i32
        %add3A_323 = arith.addi %add3A_322, %mul3A_321 : i32
        %add3A_324 = arith.constant 0 : i32
        %add3A_325 = arith.addi %add3A_323, %add3A_324 : i32
        %get3A_326 = arith.index_cast %add3A_325 : i32 to index
        %get3A_327 = arith.constant 0 : index
        %get3A_328 = tpu.vector_load %arg9[%get3A_326, %get3A_327] {strides = array<i32>} : memref<800x32xf32, #tpu.memory_space<vmem>>, vector<1x16xf32>,
        %get3A_329 = vector.shape_cast %get3A_328 : vector<1x16xf32> to vector<16xf32>
        %add3A_330 = arith.addf %scan3A_312, %get3A_329 : vector<16xf32>
        %add3A_331 = arith.constant 0 : i32
        %add3A_332 = arith.addi %add3A_323, %add3A_331 : i32
        %get3A_333 = arith.index_cast %add3A_332 : i32 to index
        %get3A_334 = arith.constant 16 : index
        %get3A_335 = tpu.vector_load %arg9[%get3A_333, %get3A_334] {strides = array<i32>} : memref<800x32xf32, #tpu.memory_space<vmem>>, vector<1x16xf32>,
        %get3A_336 = vector.shape_cast %get3A_335 : vector<1x16xf32> to vector<16xf32>
        %add3A_337 = arith.addf %scan3A_313, %get3A_336 : vector<16xf32>
        %add3A_338 = arith.constant 1 : i32
        %add3A_339 = arith.addi %add3A_323, %add3A_338 : i32
        %get3A_340 = arith.index_cast %add3A_339 : i32 to index
        %get3A_341 = arith.constant 0 : index
        %get3A_342 = tpu.vector_load %arg9[%get3A_340, %get3A_341] {strides = array<i32>} : memref<800x32xf32, #tpu.memory_space<vmem>>, vector<1x16xf32>,
        %get3A_343 = vector.shape_cast %get3A_342 : vector<1x16xf32> to vector<16xf32>
        %add3A_344 = arith.addf %scan3A_314, %get3A_343 : vector<16xf32>
        %add3A_345 = arith.constant 1 : i32
        %add3A_346 = arith.addi %add3A_323, %add3A_345 : i32
        %get3A_347 = arith.index_cast %add3A_346 : i32 to index
        %get3A_348 = arith.constant 16 : index
        %get3A_349 = tpu.vector_load %arg9[%get3A_347, %get3A_348] {strides = array<i32>} : memref<800x32xf32, #tpu.memory_space<vmem>>, vector<1x16xf32>,
        %get3A_350 = vector.shape_cast %get3A_349 : vector<1x16xf32> to vector<16xf32>
        %add3A_351 = arith.addf %scan3A_315, %get3A_350 : vector<16xf32>
        %add3A_352 = arith.constant 2 : i32
        %add3A_353 = arith.addi %add3A_323, %add3A_352 : i32
        %get3A_354 = arith.index_cast %add3A_353 : i32 to index
        %get3A_355 = arith.constant 0 : index
        %get3A_356 = tpu.vector_load %arg9[%get3A_354, %get3A_355] {strides = array<i32>} : memref<800x32xf32, #tpu.memory_space<vmem>>, vector<1x16xf32>,
        %get3A_357 = vector.shape_cast %get3A_356 : vector<1x16xf32> to vector<16xf32>
        %add3A_358 = arith.addf %scan3A_316, %get3A_357 : vector<16xf32>
        %add3A_359 = arith.constant 2 : i32
        %add3A_360 = arith.addi %add3A_323, %add3A_359 : i32
        %get3A_361 = arith.index_cast %add3A_360 : i32 to index
        %get3A_362 = arith.constant 16 : index
        %get3A_363 = tpu.vector_load %arg9[%get3A_361, %get3A_362] {strides = array<i32>} : memref<800x32xf32, #tpu.memory_space<vmem>>, vector<1x16xf32>,
        %get3A_364 = vector.shape_cast %get3A_363 : vector<1x16xf32> to vector<16xf32>
        %add3A_365 = arith.addf %scan3A_317, %get3A_364 : vector<16xf32>
        %add3A_366 = arith.constant 3 : i32
        %add3A_367 = arith.addi %add3A_323, %add3A_366 : i32
        %get3A_368 = arith.index_cast %add3A_367 : i32 to index
        %get3A_369 = arith.constant 0 : index
        %get3A_370 = tpu.vector_load %arg9[%get3A_368, %get3A_369] {strides = array<i32>} : memref<800x32xf32, #tpu.memory_space<vmem>>, vector<1x16xf32>,
        %get3A_371 = vector.shape_cast %get3A_370 : vector<1x16xf32> to vector<16xf32>
        %add3A_372 = arith.addf %scan3A_318, %get3A_371 : vector<16xf32>
        %add3A_373 = arith.constant 3 : i32
        %add3A_374 = arith.addi %add3A_323, %add3A_373 : i32
        %get3A_375 = arith.index_cast %add3A_374 : i32 to index
        %get3A_376 = arith.constant 16 : index
        %get3A_377 = tpu.vector_load %arg9[%get3A_375, %get3A_376] {strides = array<i32>} : memref<800x32xf32, #tpu.memory_space<vmem>>, vector<1x16xf32>,
        %get3A_378 = vector.shape_cast %get3A_377 : vector<1x16xf32> to vector<16xf32>
        %add3A_379 = arith.addf %scan3A_319, %get3A_378 : vector<16xf32>
        %add3A_380 = arith.constant 4 : i32
        %add3A_381 = arith.addi %add3A_323, %add3A_380 : i32
        %get3A_382 = arith.index_cast %add3A_381 : i32 to index
        %get3A_383 = arith.constant 0 : index
        %get3A_384 = tpu.vector_load %arg9[%get3A_382, %get3A_383] {strides = array<i32>} : memref<800x32xf32, #tpu.memory_space<vmem>>, vector<1x16xf32>,
        %get3A_385 = vector.shape_cast %get3A_384 : vector<1x16xf32> to vector<16xf32>
        %add3A_386 = arith.addf %add3A_330, %get3A_385 : vector<16xf32>
        %add3A_387 = arith.constant 4 : i32
        %add3A_388 = arith.addi %add3A_323, %add3A_387 : i32
        %get3A_389 = arith.index_cast %add3A_388 : i32 to index
        %get3A_390 = arith.constant 16 : index
        %get3A_391 = tpu.vector_load %arg9[%get3A_389, %get3A_390] {strides = array<i32>} : memref<800x32xf32, #tpu.memory_space<vmem>>, vector<1x16xf32>,
        %get3A_392 = vector.shape_cast %get3A_391 : vector<1x16xf32> to vector<16xf32>
        %add3A_393 = arith.addf %add3A_337, %get3A_392 : vector<16xf32>
        %add3A_394 = arith.constant 5 : i32
        %add3A_395 = arith.addi %add3A_323, %add3A_394 : i32
        %get3A_396 = arith.index_cast %add3A_395 : i32 to index
        %get3A_397 = arith.constant 0 : index
        %get3A_398 = tpu.vector_load %arg9[%get3A_396, %get3A_397] {strides = array<i32>} : memref<800x32xf32, #tpu.memory_space<vmem>>, vector<1x16xf32>,
        %get3A_399 = vector.shape_cast %get3A_398 : vector<1x16xf32> to vector<16xf32>
        %add3A_400 = arith.addf %add3A_344, %get3A_399 : vector<16xf32>
        %add3A_401 = arith.constant 5 : i32
        %add3A_402 = arith.addi %add3A_323, %add3A_401 : i32
        %get3A_403 = arith.index_cast %add3A_402 : i32 to index
        %get3A_404 = arith.constant 16 : index
        %get3A_405 = tpu.vector_load %arg9[%get3A_403, %get3A_404] {strides = array<i32>} : memref<800x32xf32, #tpu.memory_space<vmem>>, vector<1x16xf32>,
        %get3A_406 = vector.shape_cast %get3A_405 : vector<1x16xf32> to vector<16xf32>
        %add3A_407 = arith.addf %add3A_351, %get3A_406 : vector<16xf32>
        %add3A_408 = arith.constant 6 : i32
        %add3A_409 = arith.addi %add3A_323, %add3A_408 : i32
        %get3A_410 = arith.index_cast %add3A_409 : i32 to index
        %get3A_411 = arith.constant 0 : index
        %get3A_412 = tpu.vector_load %arg9[%get3A_410, %get3A_411] {strides = array<i32>} : memref<800x32xf32, #tpu.memory_space<vmem>>, vector<1x16xf32>,
        %get3A_413 = vector.shape_cast %get3A_412 : vector<1x16xf32> to vector<16xf32>
        %add3A_414 = arith.addf %add3A_358, %get3A_413 : vector<16xf32>
        %add3A_415 = arith.constant 6 : i32
        %add3A_416 = arith.addi %add3A_323, %add3A_415 : i32
        %get3A_417 = arith.index_cast %add3A_416 : i32 to index
        %get3A_418 = arith.constant 16 : index
        %get3A_419 = tpu.vector_load %arg9[%get3A_417, %get3A_418] {strides = array<i32>} : memref<800x32xf32, #tpu.memory_space<vmem>>, vector<1x16xf32>,
        %get3A_420 = vector.shape_cast %get3A_419 : vector<1x16xf32> to vector<16xf32>
        %add3A_421 = arith.addf %add3A_365, %get3A_420 : vector<16xf32>
        %add3A_422 = arith.constant 7 : i32
        %add3A_423 = arith.addi %add3A_323, %add3A_422 : i32
        %get3A_424 = arith.index_cast %add3A_423 : i32 to index
        %get3A_425 = arith.constant 0 : index
        %get3A_426 = tpu.vector_load %arg9[%get3A_424, %get3A_425] {strides = array<i32>} : memref<800x32xf32, #tpu.memory_space<vmem>>, vector<1x16xf32>,
        %get3A_427 = vector.shape_cast %get3A_426 : vector<1x16xf32> to vector<16xf32>
        %add3A_428 = arith.addf %add3A_372, %get3A_427 : vector<16xf32>
        %add3A_429 = arith.constant 7 : i32
        %add3A_430 = arith.addi %add3A_323, %add3A_429 : i32
        %get3A_431 = arith.index_cast %add3A_430 : i32 to index
        %get3A_432 = arith.constant 16 : index
        %get3A_433 = tpu.vector_load %arg9[%get3A_431, %get3A_432] {strides = array<i32>} : memref<800x32xf32, #tpu.memory_space<vmem>>, vector<1x16xf32>,
        %get3A_434 = vector.shape_cast %get3A_433 : vector<1x16xf32> to vector<16xf32>
        %add3A_435 = arith.addf %add3A_379, %get3A_434 : vector<16xf32>
        scf.yield %add3A_386, %add3A_393, %add3A_400, %add3A_407, %add3A_414, %add3A_421, %add3A_428, %add3A_435 : vector<16xf32>, vector<16xf32>, vector<16xf32>, vector<16xf32>, vector<16xf32>, vector<16xf32>, vector<16xf32>, vector<16xf32>
      }
      %scan3A_284 = arith.constant 25 : i32
      %add3A_285 = arith.addf %scan3A_283#0, %scan3A_283#2 : vector<16xf32>
      %add3A_286 = arith.addf %scan3A_283#4, %scan3A_283#6 : vector<16xf32>
      %add3A_287 = arith.addf %add3A_285, %add3A_286 : vector<16xf32>
      %add3A_288 = arith.addf %scan3A_283#1, %scan3A_283#3 : vector<16xf32>
      %add3A_289 = arith.addf %scan3A_283#5, %scan3A_283#7 : vector<16xf32>
      %add3A_290 = arith.addf %add3A_288, %add3A_289 : vector<16xf32>
      %mul3A_291 = arith.constant 4 : i32
      %mul3A_292 = arith.muli %add3A_161, %mul3A_291 : i32
      %add3A_293 = arith.constant 3 : i32
      %add3A_294 = arith.addi %mul3A_292, %add3A_293 : i32
      %get3A_295 = arith.index_cast %add3A_294 : i32 to index
      %get3A_296 = arith.constant 0 : index
      %get3A_297 = tpu.vector_load %arg7[%get3A_295, %get3A_296] {strides = array<i32>} : memref<128x16xf32, #tpu.memory_space<vmem>>, vector<1x16xf32>,
      %get3A_298 = vector.shape_cast %get3A_297 : vector<1x16xf32> to vector<16xf32>
      %div3A_299 = arith.divf %add3A_287, %get3A_298 : vector<16xf32>
      %swap3A_300 = arith.index_cast %add3A_294 : i32 to index
      %swap3A_301 = arith.constant 0 : index
      %swap3A_302 = tpu.vector_load %arg10[%swap3A_300, %swap3A_301] {strides = array<i32>} : memref<128x32xf32, #tpu.memory_space<vmem>>, vector<1x16xf32>,
      %swap3A_303 = vector.shape_cast %swap3A_302 : vector<1x16xf32> to vector<16xf32>
      %swap3A_304 = vector.shape_cast %div3A_299 : vector<16xf32> to vector<1x16xf32>
      tpu.vector_store %arg10[%swap3A_300, %swap3A_301], %swap3A_304 {strides = array<i32>} : memref<128x32xf32, #tpu.memory_space<vmem>>, vector<1x16xf32>,
      %div3A_305 = arith.divf %add3A_290, %get3A_298 : vector<16xf32>
      %swap3A_306 = arith.index_cast %add3A_294 : i32 to index
      %swap3A_307 = arith.constant 16 : index
      %swap3A_308 = tpu.vector_load %arg10[%swap3A_306, %swap3A_307] {strides = array<i32>} : memref<128x32xf32, #tpu.memory_space<vmem>>, vector<1x16xf32>,
      %swap3A_309 = vector.shape_cast %swap3A_308 : vector<1x16xf32> to vector<16xf32>
      %swap3A_310 = vector.shape_cast %div3A_305 : vector<16xf32> to vector<1x16xf32>
      tpu.vector_store %arg10[%swap3A_306, %swap3A_307], %swap3A_310 {strides = array<i32>} : memref<128x32xf32, #tpu.memory_space<vmem>>, vector<1x16xf32>,
    }
    %scan3A_11 = arith.constant 16 : i32
    "tpu.region"() ({
      %run_scoped3A = tpu.sem_alloc : memref<!tpu.dma_semaphore, #tpu.memory_space<semaphore_mem>>
      %dma_start3A_12 = arith.constant 0 : i32
      %dma_start3A_13 = tpu.memref_slice %arg5[%mul3A_2, %dma_start3A_12] : memref<4096x32xf32, #tpu.memory_space<hbm>> -> memref<128x32xf32, #tpu.memory_space<hbm>>
      %dma_start3A_14 = arith.constant 0 : i32
      %dma_start3A_15 = tpu.memref_slice %arg5[%mul3A_2, %dma_start3A_14] : memref<4096x32xf32, #tpu.memory_space<hbm>> -> memref<128x32xf32, #tpu.memory_space<hbm>>
      tpu.enqueue_dma source(%arg10 : memref<128x32xf32, #tpu.memory_space<vmem>>) target(%dma_start3A_15 : memref<128x32xf32, #tpu.memory_space<hbm>>) target_semaphore(%run_scoped3A : memref<!tpu.dma_semaphore, #tpu.memory_space<semaphore_mem>>)
      %dma_wait3A = arith.constant 0 : i32
      %dma_wait3A_16 = tpu.memref_slice %arg5[%mul3A_2, %dma_wait3A] : memref<4096x32xf32, #tpu.memory_space<hbm>> -> memref<128x32xf32, #tpu.memory_space<hbm>>
      %dma_wait3A_17 = arith.constant 0 : i32
      %dma_wait3A_18 = tpu.memref_slice %arg5[%mul3A_2, %dma_wait3A_17] : memref<4096x32xf32, #tpu.memory_space<hbm>> -> memref<128x32xf32, #tpu.memory_space<hbm>>
      tpu.wait_dma2 semaphore(%run_scoped3A : memref<!tpu.dma_semaphore, #tpu.memory_space<semaphore_mem>>) src(%arg10 : memref<128x32xf32, #tpu.memory_space<vmem>>) dst(%dma_wait3A_18 : memref<128x32xf32, #tpu.memory_space<hbm>>)
      tpu.yield
    }) : () -> ()
    return
  }
}

</mosaic_0001>

<sc_bundles>
// kernel: kernel.4.cloned.1.call-start
scs
__scs_entry_jumppad:
0x0: {  	(pc) =	sbr.rel $0x88, $3  }
0x1: {  	(tag) =	ssettag $0x0;
	lr =	simm.s32 $0x1  }
0x2: {  	[smem:$0x3F9E] =	sst lr;
	_ =	strace $0xD0000000  }
0x3: {  	_ = 	snop  }
0x4: {  	_ = 	snop  }
0x5: {  	_ = 	snop  }
0x6: {  	_ = 	snop  }
0x7: {  	_ = 	snop  }
__scs_overlays_trampoline_lowered:
0x8: {  	[smem:$0x3FAD] =	sst s0  }
0x9: {  	[smem:$0x3FAE] =	sst s1  }
0xa: {  	[smem:$0x3FAF] =	sst s2  }
0xb: {  	[smem:$0x3FB0] =	sst s3  }
0xc: {  	[smem:$0x3FB1] =	sst s4  }
0xd: {  	[smem:$0x3FB2] =	sst s5  }
0xe: {  	[smem:$0x3FB3] =	sst s6  }
0xf: {  	[smem:$0x3FB4] =	sst s7  }
0x10: {  	[smem:$0x3FB5] =	sst s8  }
0x11: {  	[smem:$0x3FB6] =	sst s9;
	s0 =	simm.s32 @!p0 $0x0  }
0x12: {  	s1 =	sld [smem:$0x3F9C];
	s0 =	simm.s32 @p0 $0x1  }
0x13: {  	[smem:$0x3FB7] =	sst s0;
	s0 =	simm.s32 @!p1 $0x0  }
0x14: {  	s2 =	sld [smem:$0x3F9B];
	s0 =	simm.s32 @p1 $0x1  }
0x15: {  	[smem:$0x3FB8] =	sst s0;
	s0 =	simm.s32 @!p2 $0x0  }
0x16: {  	s3 =	sld [smem:$0x3FDB];
	s0 =	simm.s32 @p2 $0x1  }
0x17: {  	s4 =	simm.s32 $0x1BF5;
	[smem:$0x3FBA] =	sst s0  }
0x18: {  	s0 =	sld [smem:$0x3F9D];
	_ =	swait.ge [sflag:s4], $0x0  }
0x19: {  	s7 =	sld [smem:$0x3F9E]  }
0x1a: {  	s8 =	sadd.s32 $0xFFFFE003, lr  }
0x1b: {  	s9 =	sadd.s32 $0xFFFFFEF7, lr;
	s5 =	simm.s32 $0xFFFFFFFF;
	p2 =	slt.u32 s8, $0xFFFFF086  }
0x1c: {  	p1 =	slt.u32 s9, $0xF7A;
	s5 =	simm.s32 @!p2 $0x0  }
0x1d: {  	s5 =	simm.s32 @p1 $0x1;
	p0 =	seq.s32 s7, s2  }
0x1e: {  	s7 =	smul.u32 @!p0 $0xF7A, s2;
	p2 =	seq.s32 @!p0 s5, $0x0  }
0x1f: {  	s9 =	smul.u32 $0xF7A, s1;
	s8 =	simm.s32 @!p0 $0x1BF5;
	p2 =	por !p2, p0  }
0x20: {  	[sflag:s8] =	ssyncset.s32 @!p0 $0xFFFFF086;
	s6 =	sadd.s32 @!p0 s3, s7;
	s7 =	simm.s32 @!p0 $0x108  }
0x21: {  	s3 =	sadd.s32 s3, s9;
	s6 =	sadd.s32 @!p0 $0x88, s6;
	s7 =	simm.s32 @p2 $0x1082  }
0x22: {  	[simem:s7], [sflag:s8] =	dma.local @!p0 [hbm:s6], $0xF7A  }
0x23: {  	s9 =	sor.u32 $0xD0000000, s2;
	s6 =	simm.s32 $0x108;
	_ =	swait.ge @!p0 [sflag:s8], $0x0  }
0x24: {  	s3 =	sadd.s32 $0x88, s3;
	s6 =	simm.s32 @!p1 $0x1082;
	[sflag:s4] =	ssyncset.s32 $0xFFFFF086  }
0x25: {  	[simem:s6], [sflag:s4] =	dma.local [hbm:s3], $0xF7A  }
0x26: {  	[smem:$0x3F9E] =	sst s1;
	(tag) =	ssettag s2;
	_ =	strace s9  }
0x27: {  	s1 =	sld [smem:$0x3FAE]  }
0x28: {  	s2 =	sld [smem:$0x3FAF]  }
0x29: {  	s4 =	sld [smem:$0x3FB1]  }
0x2a: {  	p0 =	seq.s32 s5, $0x0;
	s5 =	sld [smem:$0x3FB2]  }
0x2b: {  	s6 =	sld [smem:$0x3FB3]  }
0x2c: {  	s7 =	sld [smem:$0x3FB4]  }
0x2d: {  	s3 =	simm.s32 $0x108;
	s8 =	sld [smem:$0x3FB5]  }
0x2e: {  	s3 =	simm.s32 @!p0 $0x1082;
	s9 =	sld [smem:$0x3FB6]  }
0x2f: {  	lr =	sadd.s32 s0, s3;
	s0 =	sld [smem:$0x3FAD]  }
0x30: {  	s3 =	sld [smem:$0x3FB0]  }
0x31: {  	[smem:$0x3FB9] =	sst s10  }
0x32: {  	s10 =	sld [smem:$0x3FB7];
	_ =	sdelay $0x3  }
0x33: {  	p0 =	seq.s32 s10, $0x1;
	s10 =	sld [smem:$0x3FB9];
	_ =	sdelay $0x3  }
0x34: {  	[smem:$0x3FB9] =	sst s10  }
0x35: {  	s10 =	sld [smem:$0x3FB8];
	_ =	sdelay $0x3  }
0x36: {  	p1 =	seq.s32 s10, $0x1;
	s10 =	sld [smem:$0x3FB9];
	_ =	sdelay $0x3  }
0x37: {  	[smem:$0x3FB9] =	sst s10  }
0x38: {  	s10 =	sld [smem:$0x3FBA]  }
0x39: {  	_ = 	snop;
	(pc) =	sbr.ind lr, $3  }
0x3a: {  	_ = 	snop  }
0x3b: {  	_ = 	snop  }
0x3c: {  	p2 =	seq.s32 s10, $0x1;
	s10 =	sld [smem:$0x3FB9]  }
0x3d: {  	_ =	shalt  }
0x3e: {  	_ =	shalt  }
0x3f: {  	_ =	shalt  }
0x40: {  	_ =	shalt  }
0x41: {  	_ =	shalt  }
0x42: {  	_ =	shalt  }
0x43: {  	_ =	shalt  }
0x44: {  	_ =	shalt  }
0x45: {  	_ =	shalt  }
0x46: {  	_ =	shalt  }
0x47: {  	_ =	shalt  }
0x48: {  	_ =	shalt  }
0x49: {  	_ =	shalt  }
0x4a: {  	_ =	shalt  }
0x4b: {  	_ =	shalt  }
0x4c: {  	_ =	shalt  }
0x4d: {  	_ =	shalt  }
0x4e: {  	_ =	shalt  }
0x4f: {  	_ =	shalt  }
0x50: {  	_ =	shalt  }
0x51: {  	_ =	shalt  }
0x52: {  	_ =	shalt  }
0x53: {  	_ =	shalt  }
0x54: {  	_ =	shalt  }
0x55: {  	_ =	shalt  }
0x56: {  	_ =	shalt  }
0x57: {  	_ =	shalt  }
0x58: {  	_ =	shalt  }
0x59: {  	_ =	shalt  }
0x5a: {  	_ =	shalt  }
0x5b: {  	_ =	shalt  }
0x5c: {  	_ =	shalt  }
0x5d: {  	_ =	shalt  }
0x5e: {  	_ =	shalt  }
0x5f: {  	_ =	shalt  }
0x60: {  	_ =	shalt  }
0x61: {  	_ =	shalt  }
0x62: {  	_ =	shalt  }
0x63: {  	_ =	shalt  }
0x64: {  	_ =	shalt  }
0x65: {  	_ =	shalt  }
0x66: {  	_ =	shalt  }
0x67: {  	_ =	shalt  }
0x68: {  	_ =	shalt  }
0x69: {  	_ =	shalt  }
0x6a: {  	_ =	shalt  }
0x6b: {  	_ =	shalt  }
0x6c: {  	_ =	shalt  }
0x6d: {  	_ =	shalt  }
0x6e: {  	_ =	shalt  }
0x6f: {  	_ =	shalt  }
0x70: {  	_ =	shalt  }
0x71: {  	_ =	shalt  }
0x72: {  	_ =	shalt  }
0x73: {  	_ =	shalt  }
0x74: {  	_ =	shalt  }
0x75: {  	_ =	shalt  }
0x76: {  	_ =	shalt  }
0x77: {  	_ =	shalt  }
0x78: {  	_ =	shalt  }
0x79: {  	_ =	shalt  }
0x7a: {  	_ =	shalt  }
0x7b: {  	_ =	shalt  }
0x7c: {  	_ =	shalt  }
0x7d: {  	_ =	shalt  }
0x7e: {  	_ =	shalt  }
0x7f: {  	_ =	shalt  }
0x80: {  	_ =	shalt  }
0x81: {  	_ =	shalt  }
0x82: {  	_ =	shalt  }
0x83: {  	_ =	shalt  }
0x84: {  	_ =	shalt  }
0x85: {  	_ =	shalt  }
0x86: {  	_ =	shalt  }
0x87: {  	_ =	shalt  }
.Lfunc_end0:
.L_simem_size_0:
called_computation_lowered:
.L_overlay_start_0:
0x88: {  	s2 =	sld [smem:$0x3FD9]  }
0x89: {  	s3 =	sld [smem:$0x3FFE];
	_ =	sdelay $0x1  }
0x8a: {  	s1 =	srdreg.scid  }
0x8b: {  	s0 =	sand.u32 $0x1, s1  }
0x8c: {  	s17 =	sshll.u32 s0, $0xA;
	s2 =	sadd.s32 s3, s2  }
0x8d: {  	s2 =	sadd.s32 s2, s17  }
0x8e: {  	[smem:$0x3FC5] =	sst s2  }
0x8f: {  	_ = 	snop  }
0x90: {  	s2 =	sld [smem:$0x3FC7];
	(tm) =	ssettm $0x1  }
0x91: {  	s18 =	sld [smem:$0x3FFB];
	_ =	sdelay $0x3  }
0x92: {  	_ =	strace s18  }
0x93: {  	s3 =	sld [smem:$0x3FFC];
	_ =	sdelay $0x3  }
0x94: {  	_ =	strace s3  }
0x95: {  	s3 =	sld [smem:$0x3FFD];
	_ =	sdelay $0x3  }
0x96: {  	_ =	strace s3  }
0x97: {  	_ =	strace $0x8FFFFFFF  }
0x98: {  	s19 =	sld [smem:$0x3FDB];
	_ =	sdelay $0x1  }
0x99: {  	s4 =	simm.s32 $_scs_section_size  }
0x9a: {  	s5 =	simm.s32 $_size__tile_overlayer_lowered;
	s6 =	simm.s32 $_tile_overlayer_lowered  }
0x9b: {  	s22 =	simm.s32 $0x1BFF;
	s21 =	sshll.u32 s6, $0x1;
	s3 =	sadd.s32 s4, s19  }
0x9c: {  	s7 =	simm.s32 $0x0;
	s20 =	sshll.u32 s5, $0x1;
	s5 =	sadd.s32 s21, s3  }
0x9d: {  	[timem:s7], [sflag:s22] =	dma.local [hbm:s5], s20  }
0x9e: {  	_ =	swait.ge [sflag:s22], s20  }
0x9f: {  	s4 =	ssub.s32 $0x0, s20;
	[sflag:s22] =	ssyncset.done $0x0  }
0xa0: {  	[sflag:s22] =	ssyncadd.s32 s4;
	_ =	sdelay $0x1  }
0xa1: {  	s23 =	simm.s32 $0x1B8B  }
0xa2: {  	_ =	swait.ge [sflag:s23], $0x1  }
0xa3: {  	[sflag:s23] =	ssyncset.done $0x0  }
0xa4: {  	s25 =	simm.s32 $0x1B8E;
	s24 =	sld [smem:$0x3FFE];
	[sflag:s23] =	ssyncadd.s32 $0xFFFFFFFF  }
0xa5: {  	s26 =	simm.s32 $execute0_lowered;
	[smem:$0x3FD2] =	sst s25  }
0xa6: {  	s5 =	sshll.u32 s26, $0x1;
	_ =	strace $0x80000046;
	[dreg:$0x1] =	wrdreg $0xFFFFFFFF  }
0xa7: {  	s28 =	simm.s32 $_size_execute0_lowered;
	s3 =	sadd.s32 s3, s5;
	[dreg:$0x0] =	wrdreg $0x0  }
0xa8: {  	s5 =	sshll.u32 s28, $0x1;
	[dreg:$0x2] =	wrdreg s3  }
0xa9: {  	[dreg:$0x3] =	wrdreg s5  }
0xaa: {  	[dreg:$0x4] =	wrdreg $0xC0  }
0xab: {  	_ =	task [dreg:s7], $0x5FFFF  }
0xac: {  	[dreg:$0x1] =	wrdreg $0xFFFFFFFF  }
0xad: {  	[dreg:$0x0] =	wrdreg $0x60  }
0xae: {  	[dreg:$0x2] =	wrdreg s2  }
0xaf: {  	[dreg:$0x3] =	wrdreg s24  }
0xb0: {  	[dreg:$0x4] =	wrdreg $0x9  }
0xb1: {  	_ =	task.clear_ibuf [dreg:s7], $0x5FFFF;
	_ =	strace $0x90000046  }
0xb2: {  	s29 =	simm.s32 $0x9;
	_ =	strace $0x80000048  }
0xb3: {  	_ =	swait.ge [sflag:s29], $0x1  }
0xb4: {  	[sflag:s29] =	ssyncadd.s32 $0xFFFFFFFF  }
0xb5: {  	_ =	strace $0x90000048  }
0xb6: {  	_ =	sfence  }
0xb7: {  	s30 =	sld [smem:$0x0];
	_ =	sdelay $0x2  }
0xb8: {  	s31 =	sshll.u32 s1, $0xD;
	s1 =	sshrl.u32 s1, $0x2  }
0xb9: {  	s3 =	sand.u32 $0x4000, s31;
	s1 =	sadd.s32 s1, s30  }
0xba: {  	s0 =	sor.u32 s3, s0;
	s1 =	sshll.u32 s1, $0x11  }
0xbb: {  	s0 =	sor.u32 s1, s0  }
0xbc: {  	s0 =	sadd.s32 $0x8F2B, s0  }
0xbd: {  	[sflag:s0] =	ssyncadd.remote.s32 $0x1  }
0xbe: {  	_ =	sfence.sel $0xFFFF  }
0xbf: {  	[dreg:$0x0] =	wrdreg $0xFFFFFFFF;
	(pc) =	sbr.abs _section_cstart, $3  }
0xc0: {  	[dreg:$0x1] =	wrdreg $0xFFFFFFFF  }
0xc1: {  	_ =	task.clear_ibuf [dreg:s7], $0x2FFFF;
	_ =	strace $0x9FFFFFFF  }
0xc2: {  	(tm) =	ssettm $0x7FFFFFFF  }
0xc3: {  	_ =	shalt  }
tec
execute0_lowered:
.L_overlay_start_1:
0x0: {  	(tag) =	ssettag $0x1  }
0x1: {  	s2 =	rddreg [dreg:$0x0];
	s1 =	srdreg.scid  }
0x2: {  	s0 =	stileid.u32;
	s4 =	rddreg [dreg:$0x1];
	s3 =	simm.s32 $0x0  }
0x3: {  	s12 =	simm.s32 $0x7A1400;
	s13 =	simm.s32 $0x1;
	s14 =	simm.s32 $0xE000  }
0x4: {  	s15 =	simm.s32 $0x7000;
	s16 =	simm.s32 $0x2;
	s17 =	simm.s32 $0x15000  }
0x5: {  	s18 =	simm.s32 $0x3;
	s7 =	sand.u32 $0x1, s1;
	s5 =	sshll.u32 s0, $0x1  }
0x6: {  	s19 =	simm.s32 $0x4;
	s1 =	rddreg [dreg:$0x2];
	s5 =	sor.u32 s7, s5  }
0x7: {  	s20 =	simm.s32 $0x0;
	[smem:$0x7FF] =	sst s3;
	s6 =	smul.u32 $0x24, s5  }
0x8: {  	s4 =	sadd.s32 $0xC00, s4;
	s11 =	smul.u32 $0xFC00, s0;
	s8 =	ssub.s32 $0x2, s7  }
0x9: {  	s5 =	smul.u32 $0x7E00, s5;
	s9 =	sshrl.u32 s8, $0x1;
	s6 =	sor.u32 $0x1, s6  }
0xa: {  	_ =	strace $0x80000047;
	s8 =	ssub.s32 s8, s9;
	s10 =	smul.u32 $0x380, s6  }
0xb: {  	s31 =	smul.u32 $0x7E00, s7;
	s28 =	smin.u32 s5, $0xF3F00;
	s5 =	smax.u32 s8, $0x1  }
0xc: {  	s6 =	sadd.s32 s2, s28;
	s29 =	sshll.u32 s28, $0x2;
	s30 =	smin.u32 s10, $0xF3F00  }
0xd: {  	s7 =	sadd.s32 s4, s29;
	s10 =	sadd.s32 s31, s11;
	s9 =	sshll.u32 s30, $0x2  }
0xe: {  	s11 =	simm.s32 $0x1C00;
	s8 =	sadd.s32 s2, s30;
	s9 =	sadd.s32 s4, s9  }
.LBB2_1:
0xf: {  	[tilespmem:s3], [sflag:$0x1] =	stream.strided.gather [hbm4b:s6+s11], $0x7000, s12, s11, $0x38;
	[tilespmem:$0x1C000] =	vst v63  }
0x10: {  	_ =	swait.ge [sflag:s13], $0x7000  }
0x11: {  	[sflag:s13] =	ssyncset.done $0x0  }
0x12: {  	[sflag:s13] =	ssyncadd.s32 $0xFFFF9000  }
0x13: {  	[hbm4b:s7+s3] =	stream.linear.scatter [tilespmem:s14], [sflag:$0x3], $0x7000, $0x38;
	[tilespmem:$0x1C000] =	vst v63  }
0x14: {  	_ = 	snop  }
0x15: {  	[tilespmem:s15], [sflag:$0x2] =	stream.strided.gather [hbm4b:s8+s11], $0x7000, s12, s11, $0x38;
	[tilespmem:$0x1C000] =	vst v63  }
0x16: {  	s21 =	sadd.s32 $0xFFFF8900, s10;
	_ =	swait.ge [sflag:s16], $0x7000  }
0x17: {  	s22 =	sadd.s32 $0x7E00, s21;
	[sflag:s16] =	ssyncset.done $0x0  }
0x18: {  	s22 =	smin.u32 s22, $0xF3F00;
	[sflag:s16] =	ssyncadd.s32 $0xFFFF9000  }
0x19: {  	[hbm4b:s9+s3] =	stream.linear.scatter [tilespmem:s17], [sflag:$0x4], $0x7000, $0x38;
	[tilespmem:$0x1C000] =	vst v63  }
0x1a: {  	s23 =	sadd.s32 s2, s22  }
0x1b: {  	[tilespmem:s3], [sflag:$0x1] =	stream.strided.gather [hbm4b:s23+s11], $0x7000, s12, s11, $0x38;
	[tilespmem:$0x1C000] =	vst v63  }
0x1c: {  	_ =	swait.ge [sflag:s13], $0x7000  }
0x1d: {  	[sflag:s13] =	ssyncset.done $0x0  }
0x1e: {  	[sflag:s13] =	ssyncadd.s32 $0xFFFF9000  }
0x1f: {  	_ =	swait.ge [sflag:s18], $0x7000  }
0x20: {  	s21 =	sadd.s32 $0x8180, s21;
	s22 =	sshll.u32 s22, $0x2;
	[sflag:s18] =	ssyncset.done $0x0  }
0x21: {  	s21 =	smin.u32 s21, $0xF3F00;
	s22 =	sadd.s32 s4, s22;
	[sflag:s18] =	ssyncadd.s32 $0xFFFF9000  }
0x22: {  	[hbm4b:s22+s3] =	stream.linear.scatter [tilespmem:s14], [sflag:$0x3], $0x7000, $0x38;
	[tilespmem:$0x1C000] =	vst v63  }
0x23: {  	s31 =	sadd.s32 s2, s21  }
0x24: {  	[tilespmem:s15], [sflag:$0x2] =	stream.strided.gather [hbm4b:s31+s11], $0x7000, s12, s11, $0x38;
	[tilespmem:$0x1C000] =	vst v63  }
0x25: {  	_ =	swait.ge [sflag:s16], $0x7000  }
0x26: {  	s25 =	sadd.s32 $0xFFFF9000, s10;
	[sflag:s16] =	ssyncset.done $0x0  }
0x27: {  	s24 =	sadd.s32 $0x7E00, s25;
	[sflag:s16] =	ssyncadd.s32 $0xFFFF9000  }
0x28: {  	s21 =	sshll.u32 s21, $0x2;
	s23 =	simm.s32 $0xFFFF9700;
	_ =	swait.ge [sflag:s19], $0x7000  }
0x29: {  	s22 =	sadd.s32 s4, s21;
	s21 =	sadd.s32 $0x8180, s25;
	[sflag:s19] =	ssyncset.done $0x0  }
.LBB2_2:
0x2a: {  	s24 =	smin.u32 s24, $0xF3F00  }
0x2b: {  	[sflag:s19] =	ssyncadd.s32 $0xFFFF9000;
	s25 =	smov.u32 s23;
	s26 =	sadd.s32 $0x700, s23  }
0x2c: {  	[hbm4b:s22+s3] =	stream.linear.scatter [tilespmem:s17], [sflag:$0x4], $0x7000, $0x38;
	[tilespmem:$0x1C000] =	vst v63  }
0x2d: {  	p0 =	sne.s32 s23, $0xFFFFF900;
	s22 =	sadd.s32 s2, s24;
	s23 =	sshll.u32 s24, $0x2  }
0x2e: {  	[tilespmem:s3], [sflag:$0x1] =	stream.strided.gather [hbm4b:s22+s11], $0x7000, s12, s11, $0x38;
	[tilespmem:$0x1C000] =	vst v63  }
0x2f: {  	_ =	swait.ge [sflag:s13], $0x7000  }
0x30: {  	[sflag:s13] =	ssyncset.done $0x0  }
0x31: {  	[sflag:s13] =	ssyncadd.s32 $0xFFFF9000  }
0x32: {  	_ =	swait.ge [sflag:s18], $0x7000  }
0x33: {  	[sflag:s18] =	ssyncset.done $0x0  }
0x34: {  	s21 =	smin.u32 s21, $0xF3F00;
	s22 =	sadd.s32 s4, s23;
	[sflag:s18] =	ssyncadd.s32 $0xFFFF9000  }
0x35: {  	[hbm4b:s22+s3] =	stream.linear.scatter [tilespmem:s14], [sflag:$0x3], $0x7000, $0x38;
	[tilespmem:$0x1C000] =	vst v63  }
0x36: {  	s22 =	sadd.s32 s2, s21;
	s21 =	sshll.u32 s21, $0x2  }
0x37: {  	[tilespmem:s15], [sflag:$0x2] =	stream.strided.gather [hbm4b:s22+s11], $0x7000, s12, s11, $0x38;
	[tilespmem:$0x1C000] =	vst v63  }
.Ltmp0:
0x38: {  	_ =	swait.ge [sflag:s16], $0x7000;
	(pc) =	sbr.rel @p0 .LBB2_2-.Ltmp0, $4  }
0x39: {  	[sflag:s16] =	ssyncset.done $0x0  }
0x3a: {  	s23 =	sadd.s32 s25, s10;
	[sflag:s16] =	ssyncadd.s32 $0xFFFF9000  }
0x3b: {  	s24 =	sadd.s32 $0x7E00, s23;
	s22 =	sadd.s32 s4, s21;
	_ =	swait.ge [sflag:s19], $0x7000  }
0x3c: {  	s21 =	sadd.s32 $0x8180, s23;
	s23 =	smov.u32 s26;
	[sflag:s19] =	ssyncset.done $0x0  }
0x3d: {  	s23 =	smin.u32 s24, $0xF3F00;
	[sflag:s19] =	ssyncadd.s32 $0xFFFF9000  }
0x3e: {  	[hbm4b:s22+s3] =	stream.linear.scatter [tilespmem:s17], [sflag:$0x4], $0x7000, $0x38;
	[tilespmem:$0x1C000] =	vst v63  }
0x3f: {  	s29 =	sadd.s32 s2, s23  }
0x40: {  	[tilespmem:s3], [sflag:$0x1] =	stream.strided.gather [hbm4b:s29+s11], $0x7000, s12, s11, $0x38;
	[tilespmem:$0x1C000] =	vst v63  }
0x41: {  	_ =	swait.ge [sflag:s13], $0x7000  }
0x42: {  	[sflag:s13] =	ssyncset.done $0x0  }
0x43: {  	[sflag:s13] =	ssyncadd.s32 $0xFFFF9000  }
0x44: {  	_ =	swait.ge [sflag:s18], $0x7000  }
0x45: {  	s30 =	sshll.u32 s23, $0x2;
	[sflag:s18] =	ssyncset.done $0x0  }
0x46: {  	s21 =	smin.u32 s21, $0xF3F00;
	s22 =	sadd.s32 s4, s30;
	[sflag:s18] =	ssyncadd.s32 $0xFFFF9000  }
0x47: {  	[hbm4b:s22+s3] =	stream.linear.scatter [tilespmem:s14], [sflag:$0x3], $0x7000, $0x38;
	[tilespmem:$0x1C000] =	vst v63  }
0x48: {  	s31 =	sadd.s32 s2, s21  }
0x49: {  	[tilespmem:s15], [sflag:$0x2] =	stream.strided.gather [hbm4b:s31+s11], $0x7000, s12, s11, $0x38;
	[tilespmem:$0x1C000] =	vst v63  }
0x4a: {  	_ =	swait.ge [sflag:s16], $0x7000  }
0x4b: {  	[sflag:s16] =	ssyncset.done $0x0  }
0x4c: {  	[sflag:s16] =	ssyncadd.s32 $0xFFFF9000  }
0x4d: {  	_ =	swait.ge [sflag:s19], $0x7000  }
0x4e: {  	s21 =	sshll.u32 s21, $0x2;
	[sflag:s19] =	ssyncset.done $0x0  }
0x4f: {  	s20 =	sadd.s32 $0x1, s20;
	s21 =	sadd.s32 s4, s21;
	[sflag:s19] =	ssyncadd.s32 $0xFFFF9000  }
0x50: {  	[hbm4b:s21+s3] =	stream.linear.scatter [tilespmem:s17], [sflag:$0x4], $0x7000, $0x38;
	[tilespmem:$0x1C000] =	vst v63  }
0x51: {  	p0 =	sne.s32 s20, s5;
	_ =	swait.ge [sflag:s18], $0x7000  }
.Ltmp1:
0x52: {  	[sflag:s18] =	ssyncset.done $0x0;
	(pc) =	sbr.rel @p0 .LBB2_1-.Ltmp1, $4  }
0x53: {  	[sflag:s18] =	ssyncadd.s32 $0xFFFF9000  }
0x54: {  	_ =	swait.ge [sflag:s19], $0x7000  }
0x55: {  	[sflag:s19] =	ssyncset.done $0x0  }
0x56: {  	[sflag:s19] =	ssyncadd.s32 $0xFFFF9000  }
0x57: {  	_ =	sfence.sel $0x180000  }
0x58: {  	[bflag:$0x0] =	sbarrier.arrive $0xFFFF  }
0x59: {  	p0 =	sne.s32 s0, $0x0;
	_ =	strace $0x90000047  }
0x5a: {  	s0 =	sadd.s32 @!p0 $0x100000, s1;
	[bflag:$0x2] =	sbarrier.arrive $0xFFFF  }
0x5b: {  	[sflag:s0] =	ssyncadd.tile.s32 @!p0 $0x1;
	_ =	shalt  }
.Lfunc_end2:
_tile_overlayer_lowered:
.L_overlay_start_2:
0x5c: {  	(tag) =	ssettag $0x2  }
0x5d: {  	s0 =	rddreg [dreg:$0x0];
	s2 =	stileid.u32  }
0x5e: {  	s1 =	rddreg [dreg:$0x1];
	p0 =	sne.s32 s2, $0x0  }
0x5f: {  	s3 =	rddreg [dreg:$0x2];
	[bflag:$0x3] =	sbarrier.arrive $0xFFFF;
	s2 =	simm.s32 @!p0 $0x1C05  }
0x60: {  	[timem:s3], [sflag:s2] =	dma.local @!p0 [hbm:s0], s1  }
0x61: {  	s0 =	simm.s32 @!p0 $0x5  }
0x62: {  	_ =	swait.ge @!p0 [sflag:s0], s1  }
0x63: {  	s1 =	ssub.s32 @!p0 $0x0, s1;
	[sflag:s0] =	ssyncset.done @!p0 $0x0  }
0x64: {  	[sflag:s0] =	ssyncadd.s32 @!p0 s1  }
0x65: {  	[bflag:$0x3] =	sbarrier.arrive $0xFFFF  }
0x66: {  	_ =	shalt  }

// kernel: kernel.7.cloned.1.call-start
scs
__scs_entry_jumppad:
0x0: {  	(pc) =	sbr.rel $0x88, $3  }
0x1: {  	(tag) =	ssettag $0x0;
	lr =	simm.s32 $0x1  }
0x2: {  	[smem:$0x3F9E] =	sst lr;
	_ =	strace $0xD0000000  }
0x3: {  	_ = 	snop  }
0x4: {  	_ = 	snop  }
0x5: {  	_ = 	snop  }
0x6: {  	_ = 	snop  }
0x7: {  	_ = 	snop  }
__scs_overlays_trampoline_lowered:
0x8: {  	[smem:$0x3FAD] =	sst s0  }
0x9: {  	[smem:$0x3FAE] =	sst s1  }
0xa: {  	[smem:$0x3FAF] =	sst s2  }
0xb: {  	[smem:$0x3FB0] =	sst s3  }
0xc: {  	[smem:$0x3FB1] =	sst s4  }
0xd: {  	[smem:$0x3FB2] =	sst s5  }
0xe: {  	[smem:$0x3FB3] =	sst s6  }
0xf: {  	[smem:$0x3FB4] =	sst s7  }
0x10: {  	[smem:$0x3FB5] =	sst s8  }
0x11: {  	[smem:$0x3FB6] =	sst s9;
	s0 =	simm.s32 @!p0 $0x0  }
0x12: {  	s1 =	sld [smem:$0x3F9C];
	s0 =	simm.s32 @p0 $0x1  }
0x13: {  	[smem:$0x3FB7] =	sst s0;
	s0 =	simm.s32 @!p1 $0x0  }
0x14: {  	s2 =	sld [smem:$0x3F9B];
	s0 =	simm.s32 @p1 $0x1  }
0x15: {  	[smem:$0x3FB8] =	sst s0;
	s0 =	simm.s32 @!p2 $0x0  }
0x16: {  	s3 =	sld [smem:$0x3FDB];
	s0 =	simm.s32 @p2 $0x1  }
0x17: {  	s4 =	simm.s32 $0x1BF5;
	[smem:$0x3FBA] =	sst s0  }
0x18: {  	s0 =	sld [smem:$0x3F9D];
	_ =	swait.ge [sflag:s4], $0x0  }
0x19: {  	s7 =	sld [smem:$0x3F9E]  }
0x1a: {  	s8 =	sadd.s32 $0xFFFFE003, lr  }
0x1b: {  	s9 =	sadd.s32 $0xFFFFFEF7, lr;
	s5 =	simm.s32 $0xFFFFFFFF;
	p2 =	slt.u32 s8, $0xFFFFF086  }
0x1c: {  	p1 =	slt.u32 s9, $0xF7A;
	s5 =	simm.s32 @!p2 $0x0  }
0x1d: {  	s5 =	simm.s32 @p1 $0x1;
	p0 =	seq.s32 s7, s2  }
0x1e: {  	s7 =	smul.u32 @!p0 $0xF7A, s2;
	p2 =	seq.s32 @!p0 s5, $0x0  }
0x1f: {  	s9 =	smul.u32 $0xF7A, s1;
	s8 =	simm.s32 @!p0 $0x1BF5;
	p2 =	por !p2, p0  }
0x20: {  	[sflag:s8] =	ssyncset.s32 @!p0 $0xFFFFF086;
	s6 =	sadd.s32 @!p0 s3, s7;
	s7 =	simm.s32 @!p0 $0x108  }
0x21: {  	s3 =	sadd.s32 s3, s9;
	s6 =	sadd.s32 @!p0 $0x88, s6;
	s7 =	simm.s32 @p2 $0x1082  }
0x22: {  	[simem:s7], [sflag:s8] =	dma.local @!p0 [hbm:s6], $0xF7A  }
0x23: {  	s9 =	sor.u32 $0xD0000000, s2;
	s6 =	simm.s32 $0x108;
	_ =	swait.ge @!p0 [sflag:s8], $0x0  }
0x24: {  	s3 =	sadd.s32 $0x88, s3;
	s6 =	simm.s32 @!p1 $0x1082;
	[sflag:s4] =	ssyncset.s32 $0xFFFFF086  }
0x25: {  	[simem:s6], [sflag:s4] =	dma.local [hbm:s3], $0xF7A  }
0x26: {  	[smem:$0x3F9E] =	sst s1;
	(tag) =	ssettag s2;
	_ =	strace s9  }
0x27: {  	s1 =	sld [smem:$0x3FAE]  }
0x28: {  	s2 =	sld [smem:$0x3FAF]  }
0x29: {  	s4 =	sld [smem:$0x3FB1]  }
0x2a: {  	p0 =	seq.s32 s5, $0x0;
	s5 =	sld [smem:$0x3FB2]  }
0x2b: {  	s6 =	sld [smem:$0x3FB3]  }
0x2c: {  	s7 =	sld [smem:$0x3FB4]  }
0x2d: {  	s3 =	simm.s32 $0x108;
	s8 =	sld [smem:$0x3FB5]  }
0x2e: {  	s3 =	simm.s32 @!p0 $0x1082;
	s9 =	sld [smem:$0x3FB6]  }
0x2f: {  	lr =	sadd.s32 s0, s3;
	s0 =	sld [smem:$0x3FAD]  }
0x30: {  	s3 =	sld [smem:$0x3FB0]  }
0x31: {  	[smem:$0x3FB9] =	sst s10  }
0x32: {  	s10 =	sld [smem:$0x3FB7];
	_ =	sdelay $0x3  }
0x33: {  	p0 =	seq.s32 s10, $0x1;
	s10 =	sld [smem:$0x3FB9];
	_ =	sdelay $0x3  }
0x34: {  	[smem:$0x3FB9] =	sst s10  }
0x35: {  	s10 =	sld [smem:$0x3FB8];
	_ =	sdelay $0x3  }
0x36: {  	p1 =	seq.s32 s10, $0x1;
	s10 =	sld [smem:$0x3FB9];
	_ =	sdelay $0x3  }
0x37: {  	[smem:$0x3FB9] =	sst s10  }
0x38: {  	s10 =	sld [smem:$0x3FBA]  }
0x39: {  	_ = 	snop;
	(pc) =	sbr.ind lr, $3  }
0x3a: {  	_ = 	snop  }
0x3b: {  	_ = 	snop  }
0x3c: {  	p2 =	seq.s32 s10, $0x1;
	s10 =	sld [smem:$0x3FB9]  }
0x3d: {  	_ =	shalt  }
0x3e: {  	_ =	shalt  }
0x3f: {  	_ =	shalt  }
0x40: {  	_ =	shalt  }
0x41: {  	_ =	shalt  }
0x42: {  	_ =	shalt  }
0x43: {  	_ =	shalt  }
0x44: {  	_ =	shalt  }
0x45: {  	_ =	shalt  }
0x46: {  	_ =	shalt  }
0x47: {  	_ =	shalt  }
0x48: {  	_ =	shalt  }
0x49: {  	_ =	shalt  }
0x4a: {  	_ =	shalt  }
0x4b: {  	_ =	shalt  }
0x4c: {  	_ =	shalt  }
0x4d: {  	_ =	shalt  }
0x4e: {  	_ =	shalt  }
0x4f: {  	_ =	shalt  }
0x50: {  	_ =	shalt  }
0x51: {  	_ =	shalt  }
0x52: {  	_ =	shalt  }
0x53: {  	_ =	shalt  }
0x54: {  	_ =	shalt  }
0x55: {  	_ =	shalt  }
0x56: {  	_ =	shalt  }
0x57: {  	_ =	shalt  }
0x58: {  	_ =	shalt  }
0x59: {  	_ =	shalt  }
0x5a: {  	_ =	shalt  }
0x5b: {  	_ =	shalt  }
0x5c: {  	_ =	shalt  }
0x5d: {  	_ =	shalt  }
0x5e: {  	_ =	shalt  }
0x5f: {  	_ =	shalt  }
0x60: {  	_ =	shalt  }
0x61: {  	_ =	shalt  }
0x62: {  	_ =	shalt  }
0x63: {  	_ =	shalt  }
0x64: {  	_ =	shalt  }
0x65: {  	_ =	shalt  }
0x66: {  	_ =	shalt  }
0x67: {  	_ =	shalt  }
0x68: {  	_ =	shalt  }
0x69: {  	_ =	shalt  }
0x6a: {  	_ =	shalt  }
0x6b: {  	_ =	shalt  }
0x6c: {  	_ =	shalt  }
0x6d: {  	_ =	shalt  }
0x6e: {  	_ =	shalt  }
0x6f: {  	_ =	shalt  }
0x70: {  	_ =	shalt  }
0x71: {  	_ =	shalt  }
0x72: {  	_ =	shalt  }
0x73: {  	_ =	shalt  }
0x74: {  	_ =	shalt  }
0x75: {  	_ =	shalt  }
0x76: {  	_ =	shalt  }
0x77: {  	_ =	shalt  }
0x78: {  	_ =	shalt  }
0x79: {  	_ =	shalt  }
0x7a: {  	_ =	shalt  }
0x7b: {  	_ =	shalt  }
0x7c: {  	_ =	shalt  }
0x7d: {  	_ =	shalt  }
0x7e: {  	_ =	shalt  }
0x7f: {  	_ =	shalt  }
0x80: {  	_ =	shalt  }
0x81: {  	_ =	shalt  }
0x82: {  	_ =	shalt  }
0x83: {  	_ =	shalt  }
0x84: {  	_ =	shalt  }
0x85: {  	_ =	shalt  }
0x86: {  	_ =	shalt  }
0x87: {  	_ =	shalt  }
.Lfunc_end0:
.L_simem_size_0:
called_computation.1_lowered:
.L_overlay_start_0:
0x88: {  	s2 =	sld [smem:$0x3FD9]  }
0x89: {  	s3 =	sld [smem:$0x3FFE];
	_ =	sdelay $0x1  }
0x8a: {  	s1 =	srdreg.scid  }
0x8b: {  	s0 =	sand.u32 $0x1, s1  }
0x8c: {  	s17 =	sshll.u32 s0, $0xA;
	s2 =	sadd.s32 s3, s2  }
0x8d: {  	s2 =	sadd.s32 s2, s17  }
0x8e: {  	[smem:$0x3FC5] =	sst s2  }
0x8f: {  	_ = 	snop  }
0x90: {  	s2 =	sld [smem:$0x3FD0];
	(tm) =	ssettm $0x1  }
0x91: {  	s18 =	sld [smem:$0x3FFB];
	_ =	sdelay $0x3  }
0x92: {  	_ =	strace s18  }
0x93: {  	s3 =	sld [smem:$0x3FFC];
	_ =	sdelay $0x3  }
0x94: {  	_ =	strace s3  }
0x95: {  	s3 =	sld [smem:$0x3FFD];
	_ =	sdelay $0x3  }
0x96: {  	_ =	strace s3  }
0x97: {  	_ =	strace $0x8FFFFFFF  }
0x98: {  	s19 =	sld [smem:$0x3FDB];
	_ =	sdelay $0x1  }
0x99: {  	s4 =	simm.s32 $_scs_section_size  }
0x9a: {  	s5 =	simm.s32 $_size__tile_overlayer_lowered;
	s6 =	simm.s32 $_tile_overlayer_lowered  }
0x9b: {  	s22 =	simm.s32 $0x1BFF;
	s21 =	sshll.u32 s6, $0x1;
	s3 =	sadd.s32 s4, s19  }
0x9c: {  	s7 =	simm.s32 $0x0;
	s20 =	sshll.u32 s5, $0x1;
	s5 =	sadd.s32 s21, s3  }
0x9d: {  	[timem:s7], [sflag:s22] =	dma.local [hbm:s5], s20  }
0x9e: {  	_ =	swait.ge [sflag:s22], s20  }
0x9f: {  	s4 =	ssub.s32 $0x0, s20;
	[sflag:s22] =	ssyncset.done $0x0  }
0xa0: {  	[sflag:s22] =	ssyncadd.s32 s4;
	_ =	sdelay $0x1  }
0xa1: {  	s23 =	simm.s32 $0x1B8B  }
0xa2: {  	_ =	swait.ge [sflag:s23], $0x1  }
0xa3: {  	[sflag:s23] =	ssyncset.done $0x0  }
0xa4: {  	s25 =	simm.s32 $0x1B8E;
	s24 =	sld [smem:$0x3FFE];
	[sflag:s23] =	ssyncadd.s32 $0xFFFFFFFF  }
0xa5: {  	s26 =	simm.s32 $execute0_lowered;
	[smem:$0x3FD2] =	sst s25  }
0xa6: {  	s5 =	sshll.u32 s26, $0x1;
	_ =	strace $0x80000049;
	[dreg:$0x1] =	wrdreg $0xFFFFFFFF  }
0xa7: {  	s28 =	simm.s32 $_size_execute0_lowered;
	s3 =	sadd.s32 s3, s5;
	[dreg:$0x0] =	wrdreg $0x0  }
0xa8: {  	s5 =	sshll.u32 s28, $0x1;
	[dreg:$0x2] =	wrdreg s3  }
0xa9: {  	[dreg:$0x3] =	wrdreg s5  }
0xaa: {  	[dreg:$0x4] =	wrdreg $0xC0  }
0xab: {  	_ =	task [dreg:s7], $0x5FFFF  }
0xac: {  	[dreg:$0x1] =	wrdreg $0xFFFFFFFF  }
0xad: {  	[dreg:$0x0] =	wrdreg $0x60  }
0xae: {  	[dreg:$0x2] =	wrdreg s24  }
0xaf: {  	[dreg:$0x3] =	wrdreg s2  }
0xb0: {  	[dreg:$0x4] =	wrdreg $0x9  }
0xb1: {  	_ =	task.clear_ibuf [dreg:s7], $0x5FFFF;
	_ =	strace $0x90000049  }
0xb2: {  	s29 =	simm.s32 $0x9;
	_ =	strace $0x8000004B  }
0xb3: {  	_ =	swait.ge [sflag:s29], $0x1  }
0xb4: {  	[sflag:s29] =	ssyncadd.s32 $0xFFFFFFFF  }
0xb5: {  	_ =	strace $0x9000004B  }
0xb6: {  	_ =	sfence  }
0xb7: {  	s30 =	sld [smem:$0x0];
	_ =	sdelay $0x2  }
0xb8: {  	s31 =	sshll.u32 s1, $0xD;
	s1 =	sshrl.u32 s1, $0x2  }
0xb9: {  	s3 =	sand.u32 $0x4000, s31;
	s1 =	sadd.s32 s1, s30  }
0xba: {  	s0 =	sor.u32 s3, s0;
	s1 =	sshll.u32 s1, $0x11  }
0xbb: {  	s0 =	sor.u32 s1, s0  }
0xbc: {  	s0 =	sadd.s32 $0x8F2B, s0  }
0xbd: {  	[sflag:s0] =	ssyncadd.remote.s32 $0x1  }
0xbe: {  	_ =	sfence.sel $0xFFFF  }
0xbf: {  	[dreg:$0x0] =	wrdreg $0xFFFFFFFF;
	(pc) =	sbr.abs _section_cstart, $3  }
0xc0: {  	[dreg:$0x1] =	wrdreg $0xFFFFFFFF  }
0xc1: {  	_ =	task.clear_ibuf [dreg:s7], $0x2FFFF;
	_ =	strace $0x9FFFFFFF  }
0xc2: {  	(tm) =	ssettm $0x7FFFFFFF  }
0xc3: {  	_ =	shalt  }
tec
execute0_lowered:
.L_overlay_start_1:
0x0: {  	(tag) =	ssettag $0x1  }
0x1: {  	s3 =	rddreg [dreg:$0x0]  }
0x2: {  	s1 =	srdreg.scid;
	s0 =	stileid.u32  }
0x3: {  	s6 =	rddreg [dreg:$0x1];
	s2 =	simm.s32 $0x0;
	s10 =	simm.s32 $0x320  }
0x4: {  	s11 =	simm.s32 $0x6C00;
	s12 =	simm.s32 $0xD000;
	s13 =	simm.s32 $0x1  }
0x5: {  	s14 =	simm.s32 $0x2;
	s15 =	simm.s32 $0x13400;
	s16 =	simm.s32 $0x0  }
0x6: {  	s4 =	sand.u32 $0x1, s1;
	s5 =	sshll.u32 s0, $0x1;
	[smem:$0x7FF] =	sst s2  }
0x7: {  	s1 =	rddreg [dreg:$0x2];
	s5 =	sor.u32 s4, s5;
	_ =	strace $0x8000004A  }
0x8: {  	s4 =	ssub.s32 $0x2, s4;
	s7 =	smul.u32 $0xC80, s5;
	s8 =	sshll.u32 s5, $0x8  }
0x9: {  	s9 =	sshrl.u32 s4, $0x1;
	s31 =	sshll.u32 s5, $0x9;
	s8 =	sadd.s32 s8, s3  }
0xa: {  	s9 =	ssub.s32 s4, s9;
	s6 =	sadd.s32 s6, s31;
	s7 =	sadd.s32 s7, s3  }
0xb: {  	s3 =	sadd.s32 $0xC00, s3;
	s5 =	sadd.s32 $0x3D1600, s8;
	s8 =	simm.s32 $0x3  }
0xc: {  	s4 =	sadd.s32 $0x3D3600, s7;
	s7 =	smax.u32 s9, $0x1;
	s9 =	simm.s32 $0x6400  }
.LBB2_1:
0xd: {  	[tilespmem:s2], [sflag:$0x3] =	stream.linear.gather [hbm4b:s4+s2], $0x6400, $0x38;
	[tilespmem:$0x14400] =	vst v63  }
0xe: {  	_ =	swait.ge [sflag:s8], $0x6400  }
0xf: {  	[sflag:s8] =	ssyncset.done $0x0  }
0x10: {  	[sflag:s8] =	ssyncadd.s32 $0xFFFF9C00  }
0x11: {  	[tilespmem:s9], [sflag:$0x3] =	stream.linear.gather [hbm4b:s5+s2], $0x800, $0x38;
	[tilespmem:$0x14400] =	vst v63  }
0x12: {  	_ =	swait.ge [sflag:s8], $0x800  }
0x13: {  	[sflag:s8] =	ssyncset.done $0x0  }
0x14: {  	s17 =	simm.s32 $0x0;
	[sflag:s8] =	ssyncadd.s32 $0xFFFFF800  }
0x15: {  	[tilespmem:s11], [sflag:$0x1] =	stream.indirect.gather [hbm4b:s3+s10], $0x20, s2, s10, $0xb8;
	[tilespmem:$0x14400] =	vst v63  }
.LBB2_2:
0x16: {  	s18 =	sshllo.u32 s17, $0x1  }
0x17: {  	s19 =	smul.u32 $0xC80, s18;
	_ =	sdelay $0x1  }
0x18: {  	s19 =	sshra.s32 s19, $0x2  }
0x19: {  	[tilespmem:s12], [sflag:$0x2] =	stream.indirect.gather [hbm4b:s3+s10], $0x20, s19, s10, $0xb8;
	[tilespmem:$0x14400] =	vst v63  }
0x1a: {  	_ =	swait.ge [sflag:s13], $0x6400  }
0x1b: {  	[sflag:s13] =	ssyncset.done $0x0  }
0x1c: {  	s19 =	simm.s32 $0x0;
	[sflag:s13] =	ssyncadd.s32 $0xFFFF9C00  }
0x1d: {  	v2 =	vld [tilespmem:s19+$0x6C80]  }
0x1e: {  	v4 =	vld [tilespmem:s19+$0x6C90]  }
0x1f: {  	v3 =	vld [tilespmem:s19+$0x6CA0]  }
0x20: {  	v5 =	vld [tilespmem:s19+$0x6CB0]  }
0x21: {  	v0 =	vld [tilespmem:s19+$0x6CC0]  }
0x22: {  	v1 =	vld [tilespmem:s19+$0x6CD0]  }
0x23: {  	v18 =	vld [tilespmem:s19+$0x6C00]  }
0x24: {  	v20 =	vld [tilespmem:s19+$0x6C10]  }
0x25: {  	v17 =	vld [tilespmem:s19+$0x6C20]  }
0x26: {  	v19 =	vld [tilespmem:s19+$0x6C30]  }
0x27: {  	v10 =	vimm.f32 $0.0e+00;
	v11 =	vimm.f32 $0.0e+00;
	v14 =	vld [tilespmem:s19+$0x6C40]  }
0x28: {  	v12 =	vimm.f32 $0.0e+00;
	v13 =	vimm.f32 $0.0e+00;
	v6 =	vimm.f32 $0.0e+00;
	v15 =	vld [tilespmem:s19+$0x6C50]  }
0x29: {  	s20 =	simm.s32 $0x400;
	v7 =	vimm.f32 $0.0e+00;
	v9 =	vimm.f32 $0.0e+00;
	v8 =	vimm.f32 $0.0e+00;
	v16 =	vld [tilespmem:s19+$0x6C60]  }
.LBB2_3:
0x2a: {  	p0 =	sne.s32 s20, $0x6000;
	v10 =	vadd.f32 v18, v10;
	v11 =	vadd.f32 v20, v11;
	v18 =	vld [tilespmem:s19+$0x6C70]  }
0x2b: {  	v12 =	vadd.f32 v17, v12;
	v13 =	vadd.f32 v19, v13;
	v17 =	vld [tilespmem:s19+$0x6CE0]  }
0x2c: {  	v10 =	vadd.f32 v2, v10;
	v11 =	vadd.f32 v4, v11;
	v19 =	vld [tilespmem:s19+$0x6CF0];
	s19 =	sshra.s32 s20, $0x2  }
0x2d: {  	v12 =	vadd.f32 v3, v12;
	v2 =	vld [tilespmem:s19+$0x6C80];
	v13 =	vadd.f32 v5, v13  }
0x2e: {  	v6 =	vadd.f32 v14, v6;
	v7 =	vadd.f32 v15, v7;
	v4 =	vld [tilespmem:s19+$0x6C90]  }
0x2f: {  	v9 =	vadd.f32 v16, v9;
	v3 =	vld [tilespmem:s19+$0x6CA0];
	v8 =	vadd.f32 v18, v8  }
0x30: {  	v6 =	vadd.f32 v0, v6;
	v7 =	vadd.f32 v1, v7;
	v5 =	vld [tilespmem:s19+$0x6CB0]  }
0x31: {  	v9 =	vadd.f32 v17, v9;
	v0 =	vld [tilespmem:s19+$0x6CC0];
	v8 =	vadd.f32 v19, v8  }
0x32: {  	v1 =	vld [tilespmem:s19+$0x6CD0]  }
0x33: {  	v18 =	vld [tilespmem:s19+$0x6C00]  }
0x34: {  	v20 =	vld [tilespmem:s19+$0x6C10]  }
.Ltmp0:
0x35: {  	v17 =	vld [tilespmem:s19+$0x6C20];
	(pc) =	sbr.rel @p0 .LBB2_3-.Ltmp0, $4  }
0x36: {  	v19 =	vld [tilespmem:s19+$0x6C30]  }
0x37: {  	v14 =	vld [tilespmem:s19+$0x6C40]  }
0x38: {  	v15 =	vld [tilespmem:s19+$0x6C50]  }
0x39: {  	s20 =	sadd.s32 $0x400, s20;
	v16 =	vld [tilespmem:s19+$0x6C60]  }
0x3a: {  	s20 =	sshll.u32 s17, $0x7  }
0x3b: {  	s20 =	sand.u32 $0x3FFFFF80, s20  }
0x3c: {  	v21 =	vld [tilespmem:s20+$0x6400];
	_ =	sdelay $0x1  }
0x3d: {  	v10 =	vadd.f32 v18, v10  }
0x3e: {  	v11 =	vadd.f32 v20, v11;
	v18 =	vld [tilespmem:s19+$0x6C70];
	v12 =	vadd.f32 v17, v12  }
0x3f: {  	v17 =	vld [tilespmem:s19+$0x6CE0];
	v13 =	vadd.f32 v19, v13;
	v2 =	vadd.f32 v2, v10  }
0x40: {  	v4 =	vadd.f32 v4, v11;
	v10 =	vld [tilespmem:s19+$0x6CF0];
	v3 =	vadd.f32 v3, v12;
	(erf) = vrcp.f32 v21  }
0x41: {  	v6 =	vadd.f32 v14, v6;
	v5 =	vadd.f32 v5, v13  }
0x42: {  	v7 =	vadd.f32 v15, v7;
	v9 =	vadd.f32 v16, v9  }
0x43: {  	v0 =	vadd.f32 v0, v6;
	v8 =	vadd.f32 v18, v8  }
0x44: {  	v2 =	vadd.f32 v3, v2;
	v6 =	vadd.f32 v17, v9  }
0x45: {  	v1 =	vadd.f32 v1, v7;
	v7 =	vadd.f32 v10, v8  }
0x46: {  	v0 =	vadd.f32 v6, v0  }
0x47: {  	v3 =	vadd.f32 v5, v4;
	v1 =	vadd.f32 v7, v1  }
0x48: {  	v0 =	vadd.f32 v0, v2  }
0x49: {  	v1 =	vadd.f32 v1, v3;
	v2 =	vpop (erf)  }
0x4a: {  	s31 =	sshll.u32 s17, $0x8;
	v0 =	vmul.f32 v2, v0  }
0x4b: {  	s19 =	sand.u32 $0x3FFFFF00, s31;
	v1 =	vmul.f32 v2, v1  }
0x4c: {  	[tilespmem:s19+$0x13400] =	vst v0  }
0x4d: {  	s20 =	simm.s32 $0x0;
	[tilespmem:s19+$0x13410] =	vst v1  }
0x4e: {  	v2 =	vld [tilespmem:s20+$0x8580]  }
0x4f: {  	v4 =	vld [tilespmem:s20+$0x8590]  }
0x50: {  	v3 =	vld [tilespmem:s20+$0x85A0]  }
0x51: {  	v5 =	vld [tilespmem:s20+$0x85B0]  }
0x52: {  	v0 =	vld [tilespmem:s20+$0x85C0]  }
0x53: {  	v1 =	vld [tilespmem:s20+$0x85D0]  }
0x54: {  	v18 =	vld [tilespmem:s20+$0x8500]  }
0x55: {  	v20 =	vld [tilespmem:s20+$0x8510]  }
0x56: {  	v17 =	vld [tilespmem:s20+$0x8520]  }
0x57: {  	v19 =	vld [tilespmem:s20+$0x8530]  }
0x58: {  	v11 =	vimm.f32 $0.0e+00;
	v12 =	vimm.f32 $0.0e+00;
	v14 =	vld [tilespmem:s20+$0x8540]  }
0x59: {  	v13 =	vimm.f32 $0.0e+00;
	v9 =	vimm.f32 $0.0e+00;
	v10 =	vimm.f32 $0.0e+00;
	v15 =	vld [tilespmem:s20+$0x8550]  }
0x5a: {  	v8 =	vimm.f32 $0.0e+00;
	v6 =	vimm.f32 $0.0e+00;
	v7 =	vimm.f32 $0.0e+00;
	s19 =	simm.s32 $0x400;
	v16 =	vld [tilespmem:s20+$0x8560]  }
.LBB2_5:
0x5b: {  	p0 =	sne.s32 s19, $0x6000;
	v10 =	vadd.f32 v18, v10;
	v11 =	vadd.f32 v20, v11;
	v18 =	vld [tilespmem:s20+$0x8570]  }
0x5c: {  	v12 =	vadd.f32 v17, v12;
	v13 =	vadd.f32 v19, v13;
	v17 =	vld [tilespmem:s20+$0x85E0]  }
0x5d: {  	v10 =	vadd.f32 v2, v10;
	v11 =	vadd.f32 v4, v11;
	v19 =	vld [tilespmem:s20+$0x85F0];
	s20 =	sshra.s32 s19, $0x2  }
0x5e: {  	v12 =	vadd.f32 v3, v12;
	v2 =	vld [tilespmem:s20+$0x8580];
	v13 =	vadd.f32 v5, v13  }
0x5f: {  	v6 =	vadd.f32 v14, v6;
	v7 =	vadd.f32 v15, v7;
	v4 =	vld [tilespmem:s20+$0x8590]  }
0x60: {  	v9 =	vadd.f32 v16, v9;
	v3 =	vld [tilespmem:s20+$0x85A0];
	v8 =	vadd.f32 v18, v8  }
0x61: {  	v6 =	vadd.f32 v0, v6;
	v7 =	vadd.f32 v1, v7;
	v5 =	vld [tilespmem:s20+$0x85B0]  }
0x62: {  	v9 =	vadd.f32 v17, v9;
	v0 =	vld [tilespmem:s20+$0x85C0];
	v8 =	vadd.f32 v19, v8  }
0x63: {  	v1 =	vld [tilespmem:s20+$0x85D0]  }
0x64: {  	v18 =	vld [tilespmem:s20+$0x8500]  }
0x65: {  	v20 =	vld [tilespmem:s20+$0x8510]  }
.Ltmp1:
0x66: {  	v17 =	vld [tilespmem:s20+$0x8520];
	(pc) =	sbr.rel @p0 .LBB2_5-.Ltmp1, $4  }
0x67: {  	v19 =	vld [tilespmem:s20+$0x8530]  }
0x68: {  	v14 =	vld [tilespmem:s20+$0x8540]  }
0x69: {  	v15 =	vld [tilespmem:s20+$0x8550]  }
0x6a: {  	s19 =	sadd.s32 $0x400, s19;
	v16 =	vld [tilespmem:s20+$0x8560]  }
0x6b: {  	s19 =	sshll.u32 s17, $0x3  }
0x6c: {  	s21 =	sor.u32 $0x1, s19  }
0x6d: {  	s22 =	sshll.u32 s21, $0x4  }
0x6e: {  	s22 =	sand.u32 $0x3FFFFF90, s22  }
0x6f: {  	v21 =	vld [tilespmem:s22+$0x6400];
	_ =	sdelay $0x1  }
0x70: {  	v10 =	vadd.f32 v18, v10  }
0x71: {  	v11 =	vadd.f32 v20, v11;
	v18 =	vld [tilespmem:s20+$0x8570];
	v12 =	vadd.f32 v17, v12  }
0x72: {  	v17 =	vld [tilespmem:s20+$0x85E0];
	v13 =	vadd.f32 v19, v13;
	v2 =	vadd.f32 v2, v10  }
0x73: {  	v4 =	vadd.f32 v4, v11;
	v10 =	vld [tilespmem:s20+$0x85F0];
	v3 =	vadd.f32 v3, v12;
	(erf) = vrcp.f32 v21  }
0x74: {  	v6 =	vadd.f32 v14, v6;
	v5 =	vadd.f32 v5, v13  }
0x75: {  	v7 =	vadd.f32 v15, v7;
	v9 =	vadd.f32 v16, v9  }
0x76: {  	v0 =	vadd.f32 v0, v6;
	v8 =	vadd.f32 v18, v8  }
0x77: {  	v2 =	vadd.f32 v3, v2;
	v6 =	vadd.f32 v17, v9  }
0x78: {  	v1 =	vadd.f32 v1, v7;
	v7 =	vadd.f32 v10, v8  }
0x79: {  	v0 =	vadd.f32 v6, v0  }
0x7a: {  	v3 =	vadd.f32 v5, v4;
	v1 =	vadd.f32 v7, v1  }
0x7b: {  	v0 =	vadd.f32 v0, v2  }
0x7c: {  	v1 =	vadd.f32 v1, v3;
	v2 =	vpop (erf)  }
0x7d: {  	s31 =	sshll.u32 s21, $0x5;
	v0 =	vmul.f32 v2, v0  }
0x7e: {  	s20 =	sand.u32 $0x3FFFFF20, s31;
	v1 =	vmul.f32 v2, v1  }
0x7f: {  	[tilespmem:s20+$0x13400] =	vst v0  }
0x80: {  	[tilespmem:s20+$0x13410] =	vst v1;
	s20 =	simm.s32 $0x0  }
0x81: {  	v2 =	vld [tilespmem:s20+$0x9E80]  }
0x82: {  	v4 =	vld [tilespmem:s20+$0x9E90]  }
0x83: {  	v3 =	vld [tilespmem:s20+$0x9EA0]  }
0x84: {  	v5 =	vld [tilespmem:s20+$0x9EB0]  }
0x85: {  	v0 =	vld [tilespmem:s20+$0x9EC0]  }
0x86: {  	v1 =	vld [tilespmem:s20+$0x9ED0]  }
0x87: {  	v18 =	vld [tilespmem:s20+$0x9E00]  }
0x88: {  	v20 =	vld [tilespmem:s20+$0x9E10]  }
0x89: {  	v17 =	vld [tilespmem:s20+$0x9E20]  }
0x8a: {  	v19 =	vld [tilespmem:s20+$0x9E30]  }
0x8b: {  	v11 =	vimm.f32 $0.0e+00;
	v12 =	vimm.f32 $0.0e+00;
	v14 =	vld [tilespmem:s20+$0x9E40]  }
0x8c: {  	v13 =	vimm.f32 $0.0e+00;
	v9 =	vimm.f32 $0.0e+00;
	v10 =	vimm.f32 $0.0e+00;
	v15 =	vld [tilespmem:s20+$0x9E50]  }
0x8d: {  	s21 =	simm.s32 $0x400;
	v8 =	vimm.f32 $0.0e+00;
	v6 =	vimm.f32 $0.0e+00;
	v7 =	vimm.f32 $0.0e+00;
	v16 =	vld [tilespmem:s20+$0x9E60]  }
.LBB2_7:
0x8e: {  	p0 =	sne.s32 s21, $0x6000;
	v10 =	vadd.f32 v18, v10;
	v11 =	vadd.f32 v20, v11;
	v18 =	vld [tilespmem:s20+$0x9E70]  }
0x8f: {  	v12 =	vadd.f32 v17, v12;
	v13 =	vadd.f32 v19, v13;
	v17 =	vld [tilespmem:s20+$0x9EE0]  }
0x90: {  	v10 =	vadd.f32 v2, v10;
	v11 =	vadd.f32 v4, v11;
	v19 =	vld [tilespmem:s20+$0x9EF0];
	s20 =	sshra.s32 s21, $0x2  }
0x91: {  	v12 =	vadd.f32 v3, v12;
	v2 =	vld [tilespmem:s20+$0x9E80];
	v13 =	vadd.f32 v5, v13  }
0x92: {  	v6 =	vadd.f32 v14, v6;
	v7 =	vadd.f32 v15, v7;
	v4 =	vld [tilespmem:s20+$0x9E90]  }
0x93: {  	v9 =	vadd.f32 v16, v9;
	v3 =	vld [tilespmem:s20+$0x9EA0];
	v8 =	vadd.f32 v18, v8  }
0x94: {  	v6 =	vadd.f32 v0, v6;
	v7 =	vadd.f32 v1, v7;
	v5 =	vld [tilespmem:s20+$0x9EB0]  }
0x95: {  	v9 =	vadd.f32 v17, v9;
	v0 =	vld [tilespmem:s20+$0x9EC0];
	v8 =	vadd.f32 v19, v8  }
0x96: {  	v1 =	vld [tilespmem:s20+$0x9ED0]  }
0x97: {  	v18 =	vld [tilespmem:s20+$0x9E00]  }
0x98: {  	v20 =	vld [tilespmem:s20+$0x9E10]  }
.Ltmp2:
0x99: {  	v17 =	vld [tilespmem:s20+$0x9E20];
	(pc) =	sbr.rel @p0 .LBB2_7-.Ltmp2, $4  }
0x9a: {  	v19 =	vld [tilespmem:s20+$0x9E30]  }
0x9b: {  	v14 =	vld [tilespmem:s20+$0x9E40]  }
0x9c: {  	v15 =	vld [tilespmem:s20+$0x9E50]  }
0x9d: {  	s21 =	sadd.s32 $0x400, s21;
	v16 =	vld [tilespmem:s20+$0x9E60]  }
0x9e: {  	s21 =	sor.u32 $0x2, s19  }
0x9f: {  	s22 =	sshll.u32 s21, $0x4  }
0xa0: {  	s22 =	sand.u32 $0x3FFFFFF0, s22  }
0xa1: {  	v21 =	vld [tilespmem:s22+$0x6400];
	_ =	sdelay $0x1  }
0xa2: {  	v10 =	vadd.f32 v18, v10  }
0xa3: {  	v11 =	vadd.f32 v20, v11;
	v18 =	vld [tilespmem:s20+$0x9E70];
	v12 =	vadd.f32 v17, v12  }
0xa4: {  	v17 =	vld [tilespmem:s20+$0x9EE0];
	v13 =	vadd.f32 v19, v13;
	v2 =	vadd.f32 v2, v10  }
0xa5: {  	v4 =	vadd.f32 v4, v11;
	v10 =	vld [tilespmem:s20+$0x9EF0];
	v3 =	vadd.f32 v3, v12;
	(erf) = vrcp.f32 v21  }
0xa6: {  	v6 =	vadd.f32 v14, v6;
	v5 =	vadd.f32 v5, v13  }
0xa7: {  	v7 =	vadd.f32 v15, v7;
	v9 =	vadd.f32 v16, v9  }
0xa8: {  	v0 =	vadd.f32 v0, v6;
	v8 =	vadd.f32 v18, v8  }
0xa9: {  	v2 =	vadd.f32 v3, v2;
	v6 =	vadd.f32 v17, v9  }
0xaa: {  	v1 =	vadd.f32 v1, v7;
	v7 =	vadd.f32 v10, v8  }
0xab: {  	v0 =	vadd.f32 v6, v0  }
0xac: {  	v3 =	vadd.f32 v5, v4;
	v1 =	vadd.f32 v7, v1  }
0xad: {  	v0 =	vadd.f32 v0, v2  }
0xae: {  	v1 =	vadd.f32 v1, v3;
	v2 =	vpop (erf)  }
0xaf: {  	s31 =	sshll.u32 s21, $0x5;
	v0 =	vmul.f32 v2, v0  }
0xb0: {  	s20 =	sand.u32 $0x3FFFFFE0, s31;
	v1 =	vmul.f32 v2, v1  }
0xb1: {  	[tilespmem:s20+$0x13400] =	vst v0  }
0xb2: {  	[tilespmem:s20+$0x13410] =	vst v1;
	s20 =	simm.s32 $0x0  }
0xb3: {  	v2 =	vld [tilespmem:s20+$0xB780]  }
0xb4: {  	v4 =	vld [tilespmem:s20+$0xB790]  }
0xb5: {  	v3 =	vld [tilespmem:s20+$0xB7A0]  }
0xb6: {  	v5 =	vld [tilespmem:s20+$0xB7B0]  }
0xb7: {  	v0 =	vld [tilespmem:s20+$0xB7C0]  }
0xb8: {  	v1 =	vld [tilespmem:s20+$0xB7D0]  }
0xb9: {  	v18 =	vld [tilespmem:s20+$0xB700]  }
0xba: {  	v20 =	vld [tilespmem:s20+$0xB710]  }
0xbb: {  	v17 =	vld [tilespmem:s20+$0xB720]  }
0xbc: {  	v19 =	vld [tilespmem:s20+$0xB730]  }
0xbd: {  	v11 =	vimm.f32 $0.0e+00;
	v12 =	vimm.f32 $0.0e+00;
	v14 =	vld [tilespmem:s20+$0xB740]  }
0xbe: {  	v13 =	vimm.f32 $0.0e+00;
	v9 =	vimm.f32 $0.0e+00;
	v10 =	vimm.f32 $0.0e+00;
	v15 =	vld [tilespmem:s20+$0xB750]  }
0xbf: {  	s21 =	simm.s32 $0x400;
	v8 =	vimm.f32 $0.0e+00;
	v6 =	vimm.f32 $0.0e+00;
	v7 =	vimm.f32 $0.0e+00;
	v16 =	vld [tilespmem:s20+$0xB760]  }
.LBB2_9:
0xc0: {  	p0 =	sne.s32 s21, $0x6000;
	v10 =	vadd.f32 v18, v10;
	v11 =	vadd.f32 v20, v11;
	v18 =	vld [tilespmem:s20+$0xB770]  }
0xc1: {  	v12 =	vadd.f32 v17, v12;
	v13 =	vadd.f32 v19, v13;
	v17 =	vld [tilespmem:s20+$0xB7E0]  }
0xc2: {  	v10 =	vadd.f32 v2, v10;
	v11 =	vadd.f32 v4, v11;
	v19 =	vld [tilespmem:s20+$0xB7F0];
	s20 =	sshra.s32 s21, $0x2  }
0xc3: {  	v12 =	vadd.f32 v3, v12;
	v2 =	vld [tilespmem:s20+$0xB780];
	v13 =	vadd.f32 v5, v13  }
0xc4: {  	v6 =	vadd.f32 v14, v6;
	v7 =	vadd.f32 v15, v7;
	v4 =	vld [tilespmem:s20+$0xB790]  }
0xc5: {  	v9 =	vadd.f32 v16, v9;
	v3 =	vld [tilespmem:s20+$0xB7A0];
	v8 =	vadd.f32 v18, v8  }
0xc6: {  	v6 =	vadd.f32 v0, v6;
	v7 =	vadd.f32 v1, v7;
	v5 =	vld [tilespmem:s20+$0xB7B0]  }
0xc7: {  	v9 =	vadd.f32 v17, v9;
	v0 =	vld [tilespmem:s20+$0xB7C0];
	v8 =	vadd.f32 v19, v8  }
0xc8: {  	v1 =	vld [tilespmem:s20+$0xB7D0]  }
0xc9: {  	v18 =	vld [tilespmem:s20+$0xB700]  }
0xca: {  	v20 =	vld [tilespmem:s20+$0xB710]  }
.Ltmp3:
0xcb: {  	v17 =	vld [tilespmem:s20+$0xB720];
	(pc) =	sbr.rel @p0 .LBB2_9-.Ltmp3, $4  }
0xcc: {  	v19 =	vld [tilespmem:s20+$0xB730]  }
0xcd: {  	v14 =	vld [tilespmem:s20+$0xB740]  }
0xce: {  	v15 =	vld [tilespmem:s20+$0xB750]  }
0xcf: {  	s21 =	sadd.s32 $0x400, s21;
	v16 =	vld [tilespmem:s20+$0xB760]  }
0xd0: {  	s19 =	sor.u32 $0x3, s19  }
0xd1: {  	s21 =	sshll.u32 s19, $0x4  }
0xd2: {  	s21 =	sand.u32 $0x3FFFFFF0, s21  }
0xd3: {  	v21 =	vld [tilespmem:s21+$0x6400];
	_ =	sdelay $0x1  }
0xd4: {  	v10 =	vadd.f32 v18, v10  }
0xd5: {  	v11 =	vadd.f32 v20, v11;
	v18 =	vld [tilespmem:s20+$0xB770];
	v12 =	vadd.f32 v17, v12  }
0xd6: {  	v17 =	vld [tilespmem:s20+$0xB7E0];
	v13 =	vadd.f32 v19, v13;
	v2 =	vadd.f32 v2, v10  }
0xd7: {  	v4 =	vadd.f32 v4, v11;
	v10 =	vld [tilespmem:s20+$0xB7F0];
	v3 =	vadd.f32 v3, v12;
	(erf) = vrcp.f32 v21  }
0xd8: {  	v6 =	vadd.f32 v14, v6;
	v5 =	vadd.f32 v5, v13  }
0xd9: {  	v7 =	vadd.f32 v15, v7;
	v9 =	vadd.f32 v16, v9  }
0xda: {  	v0 =	vadd.f32 v0, v6;
	v8 =	vadd.f32 v18, v8  }
0xdb: {  	v2 =	vadd.f32 v3, v2;
	v6 =	vadd.f32 v17, v9  }
0xdc: {  	v1 =	vadd.f32 v1, v7;
	v7 =	vadd.f32 v10, v8  }
0xdd: {  	v0 =	vadd.f32 v6, v0  }
0xde: {  	v3 =	vadd.f32 v5, v4;
	v1 =	vadd.f32 v7, v1  }
0xdf: {  	v0 =	vadd.f32 v0, v2  }
0xe0: {  	p0 =	seq.s32 s17, $0xF;
	v1 =	vadd.f32 v1, v3;
	v2 =	vpop (erf)  }
0xe1: {  	s19 =	sshll.u32 s19, $0x5;
	s20 =	smul.u32 @!p0 $0x1900, s17;
	v0 =	vmul.f32 v2, v0  }
0xe2: {  	s19 =	sand.u32 $0x3FFFFFE0, s19;
	v1 =	vmul.f32 v2, v1  }
0xe3: {  	s20 =	sshra.s32 @!p0 s20, $0x2;
	[tilespmem:s19+$0x13400] =	vst v0  }
0xe4: {  	s21 =	simm.s32 @!p0 $0x6C00;
	[tilespmem:s19+$0x13410] =	vst v1;
	s19 =	sadd.s32 @!p0 $0x640, s20;
	s20 =	simm.s32 @!p0 $0x320  }
0xe5: {  	[tilespmem:s21], [sflag:$0x1] =	stream.indirect.gather @!p0 [hbm4b:s3+s20], $0x20, s19, s20, $0xb8;
	[tilespmem:$0x14400] =	vst v63  }
0xe6: {  	_ =	swait.ge [sflag:s14], $0x6400  }
0xe7: {  	[sflag:s14] =	ssyncset.done $0x0  }
0xe8: {  	s19 =	simm.s32 $0x0;
	[sflag:s14] =	ssyncadd.s32 $0xFFFF9C00  }
0xe9: {  	v2 =	vld [tilespmem:s19+$0xD080]  }
0xea: {  	v4 =	vld [tilespmem:s19+$0xD090]  }
0xeb: {  	v3 =	vld [tilespmem:s19+$0xD0A0]  }
0xec: {  	v5 =	vld [tilespmem:s19+$0xD0B0]  }
0xed: {  	v0 =	vld [tilespmem:s19+$0xD0C0]  }
0xee: {  	v1 =	vld [tilespmem:s19+$0xD0D0]  }
0xef: {  	v18 =	vld [tilespmem:s19+$0xD000]  }
0xf0: {  	v20 =	vld [tilespmem:s19+$0xD010]  }
0xf1: {  	v17 =	vld [tilespmem:s19+$0xD020]  }
0xf2: {  	v19 =	vld [tilespmem:s19+$0xD030]  }
0xf3: {  	v11 =	vimm.f32 $0.0e+00;
	v12 =	vimm.f32 $0.0e+00;
	v14 =	vld [tilespmem:s19+$0xD040]  }
0xf4: {  	v13 =	vimm.f32 $0.0e+00;
	v9 =	vimm.f32 $0.0e+00;
	v10 =	vimm.f32 $0.0e+00;
	v15 =	vld [tilespmem:s19+$0xD050]  }
0xf5: {  	v8 =	vimm.f32 $0.0e+00;
	v6 =	vimm.f32 $0.0e+00;
	v7 =	vimm.f32 $0.0e+00;
	s20 =	simm.s32 $0x400;
	v16 =	vld [tilespmem:s19+$0xD060]  }
.LBB2_11:
0xf6: {  	p0 =	sne.s32 s20, $0x6000;
	v10 =	vadd.f32 v18, v10;
	v11 =	vadd.f32 v20, v11;
	v18 =	vld [tilespmem:s19+$0xD070]  }
0xf7: {  	v12 =	vadd.f32 v17, v12;
	v13 =	vadd.f32 v19, v13;
	v17 =	vld [tilespmem:s19+$0xD0E0]  }
0xf8: {  	v10 =	vadd.f32 v2, v10;
	v11 =	vadd.f32 v4, v11;
	v19 =	vld [tilespmem:s19+$0xD0F0];
	s19 =	sshra.s32 s20, $0x2  }
0xf9: {  	v12 =	vadd.f32 v3, v12;
	v2 =	vld [tilespmem:s19+$0xD080];
	v13 =	vadd.f32 v5, v13  }
0xfa: {  	v6 =	vadd.f32 v14, v6;
	v7 =	vadd.f32 v15, v7;
	v4 =	vld [tilespmem:s19+$0xD090]  }
0xfb: {  	v9 =	vadd.f32 v16, v9;
	v3 =	vld [tilespmem:s19+$0xD0A0];
	v8 =	vadd.f32 v18, v8  }
0xfc: {  	v6 =	vadd.f32 v0, v6;
	v7 =	vadd.f32 v1, v7;
	v5 =	vld [tilespmem:s19+$0xD0B0]  }
0xfd: {  	v9 =	vadd.f32 v17, v9;
	v0 =	vld [tilespmem:s19+$0xD0C0];
	v8 =	vadd.f32 v19, v8  }
0xfe: {  	v1 =	vld [tilespmem:s19+$0xD0D0]  }
0xff: {  	v18 =	vld [tilespmem:s19+$0xD000]  }
0x100: {  	v20 =	vld [tilespmem:s19+$0xD010]  }
.Ltmp4:
0x101: {  	v17 =	vld [tilespmem:s19+$0xD020];
	(pc) =	sbr.rel @p0 .LBB2_11-.Ltmp4, $4  }
0x102: {  	v19 =	vld [tilespmem:s19+$0xD030]  }
0x103: {  	v14 =	vld [tilespmem:s19+$0xD040]  }
0x104: {  	v15 =	vld [tilespmem:s19+$0xD050]  }
0x105: {  	s20 =	sadd.s32 $0x400, s20;
	v16 =	vld [tilespmem:s19+$0xD060]  }
0x106: {  	s20 =	sshll.u32 s18, $0x6  }
0x107: {  	s20 =	sand.u32 $0x3FFFFFC0, s20  }
0x108: {  	v21 =	vld [tilespmem:s20+$0x6400];
	_ =	sdelay $0x1  }
0x109: {  	v10 =	vadd.f32 v18, v10  }
0x10a: {  	v11 =	vadd.f32 v20, v11;
	v18 =	vld [tilespmem:s19+$0xD070];
	v12 =	vadd.f32 v17, v12  }
0x10b: {  	v17 =	vld [tilespmem:s19+$0xD0E0];
	v13 =	vadd.f32 v19, v13;
	v2 =	vadd.f32 v2, v10  }
0x10c: {  	v4 =	vadd.f32 v4, v11;
	v10 =	vld [tilespmem:s19+$0xD0F0];
	v3 =	vadd.f32 v3, v12;
	(erf) = vrcp.f32 v21  }
0x10d: {  	v6 =	vadd.f32 v14, v6;
	v5 =	vadd.f32 v5, v13  }
0x10e: {  	v7 =	vadd.f32 v15, v7;
	v9 =	vadd.f32 v16, v9  }
0x10f: {  	v0 =	vadd.f32 v0, v6;
	v8 =	vadd.f32 v18, v8  }
0x110: {  	v2 =	vadd.f32 v3, v2;
	v6 =	vadd.f32 v17, v9  }
0x111: {  	v1 =	vadd.f32 v1, v7;
	v7 =	vadd.f32 v10, v8  }
0x112: {  	v0 =	vadd.f32 v6, v0  }
0x113: {  	v3 =	vadd.f32 v5, v4;
	v1 =	vadd.f32 v7, v1  }
0x114: {  	v0 =	vadd.f32 v0, v2  }
0x115: {  	v1 =	vadd.f32 v1, v3;
	v2 =	vpop (erf)  }
0x116: {  	s31 =	sshll.u32 s18, $0x7;
	v0 =	vmul.f32 v2, v0  }
0x117: {  	s19 =	sand.u32 $0x3FFFFF80, s31;
	v1 =	vmul.f32 v2, v1  }
0x118: {  	[tilespmem:s19+$0x13400] =	vst v0  }
0x119: {  	[tilespmem:s19+$0x13410] =	vst v1;
	s19 =	simm.s32 $0x0  }
0x11a: {  	v2 =	vld [tilespmem:s19+$0xE980]  }
0x11b: {  	v4 =	vld [tilespmem:s19+$0xE990]  }
0x11c: {  	v3 =	vld [tilespmem:s19+$0xE9A0]  }
0x11d: {  	v5 =	vld [tilespmem:s19+$0xE9B0]  }
0x11e: {  	v0 =	vld [tilespmem:s19+$0xE9C0]  }
0x11f: {  	v1 =	vld [tilespmem:s19+$0xE9D0]  }
0x120: {  	v18 =	vld [tilespmem:s19+$0xE900]  }
0x121: {  	v20 =	vld [tilespmem:s19+$0xE910]  }
0x122: {  	v17 =	vld [tilespmem:s19+$0xE920]  }
0x123: {  	v19 =	vld [tilespmem:s19+$0xE930]  }
0x124: {  	v11 =	vimm.f32 $0.0e+00;
	v12 =	vimm.f32 $0.0e+00;
	v14 =	vld [tilespmem:s19+$0xE940]  }
0x125: {  	v13 =	vimm.f32 $0.0e+00;
	v9 =	vimm.f32 $0.0e+00;
	v10 =	vimm.f32 $0.0e+00;
	v15 =	vld [tilespmem:s19+$0xE950]  }
0x126: {  	s20 =	simm.s32 $0x400;
	v8 =	vimm.f32 $0.0e+00;
	v6 =	vimm.f32 $0.0e+00;
	v7 =	vimm.f32 $0.0e+00;
	v16 =	vld [tilespmem:s19+$0xE960]  }
.LBB2_13:
0x127: {  	p0 =	sne.s32 s20, $0x6000;
	v10 =	vadd.f32 v18, v10;
	v11 =	vadd.f32 v20, v11;
	v18 =	vld [tilespmem:s19+$0xE970]  }
0x128: {  	v12 =	vadd.f32 v17, v12;
	v13 =	vadd.f32 v19, v13;
	v17 =	vld [tilespmem:s19+$0xE9E0]  }
0x129: {  	v10 =	vadd.f32 v2, v10;
	v11 =	vadd.f32 v4, v11;
	v19 =	vld [tilespmem:s19+$0xE9F0];
	s19 =	sshra.s32 s20, $0x2  }
0x12a: {  	v12 =	vadd.f32 v3, v12;
	v2 =	vld [tilespmem:s19+$0xE980];
	v13 =	vadd.f32 v5, v13  }
0x12b: {  	v6 =	vadd.f32 v14, v6;
	v7 =	vadd.f32 v15, v7;
	v4 =	vld [tilespmem:s19+$0xE990]  }
0x12c: {  	v9 =	vadd.f32 v16, v9;
	v3 =	vld [tilespmem:s19+$0xE9A0];
	v8 =	vadd.f32 v18, v8  }
0x12d: {  	v6 =	vadd.f32 v0, v6;
	v7 =	vadd.f32 v1, v7;
	v5 =	vld [tilespmem:s19+$0xE9B0]  }
0x12e: {  	v9 =	vadd.f32 v17, v9;
	v0 =	vld [tilespmem:s19+$0xE9C0];
	v8 =	vadd.f32 v19, v8  }
0x12f: {  	v1 =	vld [tilespmem:s19+$0xE9D0]  }
0x130: {  	v18 =	vld [tilespmem:s19+$0xE900]  }
0x131: {  	v20 =	vld [tilespmem:s19+$0xE910]  }
.Ltmp5:
0x132: {  	v17 =	vld [tilespmem:s19+$0xE920];
	(pc) =	sbr.rel @p0 .LBB2_13-.Ltmp5, $4  }
0x133: {  	v19 =	vld [tilespmem:s19+$0xE930]  }
0x134: {  	v14 =	vld [tilespmem:s19+$0xE940]  }
0x135: {  	v15 =	vld [tilespmem:s19+$0xE950]  }
0x136: {  	s20 =	sadd.s32 $0x400, s20;
	v16 =	vld [tilespmem:s19+$0xE960]  }
0x137: {  	s18 =	sshll.u32 s18, $0x2  }
0x138: {  	s20 =	sor.u32 $0x1, s18  }
0x139: {  	s21 =	sshll.u32 s20, $0x4  }
0x13a: {  	s21 =	sand.u32 $0x3FFFFFD0, s21  }
0x13b: {  	v21 =	vld [tilespmem:s21+$0x6400];
	_ =	sdelay $0x1  }
0x13c: {  	v10 =	vadd.f32 v18, v10  }
0x13d: {  	v11 =	vadd.f32 v20, v11;
	v18 =	vld [tilespmem:s19+$0xE970];
	v12 =	vadd.f32 v17, v12  }
0x13e: {  	v17 =	vld [tilespmem:s19+$0xE9E0];
	v13 =	vadd.f32 v19, v13;
	v2 =	vadd.f32 v2, v10  }
0x13f: {  	v4 =	vadd.f32 v4, v11;
	v10 =	vld [tilespmem:s19+$0xE9F0];
	v3 =	vadd.f32 v3, v12;
	(erf) = vrcp.f32 v21  }
0x140: {  	v6 =	vadd.f32 v14, v6;
	v5 =	vadd.f32 v5, v13  }
0x141: {  	v7 =	vadd.f32 v15, v7;
	v9 =	vadd.f32 v16, v9  }
0x142: {  	v0 =	vadd.f32 v0, v6;
	v8 =	vadd.f32 v18, v8  }
0x143: {  	v2 =	vadd.f32 v3, v2;
	v6 =	vadd.f32 v17, v9  }
0x144: {  	v1 =	vadd.f32 v1, v7;
	v7 =	vadd.f32 v10, v8  }
0x145: {  	v0 =	vadd.f32 v6, v0  }
0x146: {  	v3 =	vadd.f32 v5, v4;
	v1 =	vadd.f32 v7, v1  }
0x147: {  	v0 =	vadd.f32 v0, v2  }
0x148: {  	v1 =	vadd.f32 v1, v3;
	v2 =	vpop (erf)  }
0x149: {  	s31 =	sshll.u32 s20, $0x5;
	v0 =	vmul.f32 v2, v0  }
0x14a: {  	s19 =	sand.u32 $0x3FFFFFA0, s31;
	v1 =	vmul.f32 v2, v1  }
0x14b: {  	[tilespmem:s19+$0x13400] =	vst v0  }
0x14c: {  	[tilespmem:s19+$0x13410] =	vst v1;
	s19 =	simm.s32 $0x0  }
0x14d: {  	v2 =	vld [tilespmem:s19+$0x10280]  }
0x14e: {  	v4 =	vld [tilespmem:s19+$0x10290]  }
0x14f: {  	v3 =	vld [tilespmem:s19+$0x102A0]  }
0x150: {  	v5 =	vld [tilespmem:s19+$0x102B0]  }
0x151: {  	v0 =	vld [tilespmem:s19+$0x102C0]  }
0x152: {  	v1 =	vld [tilespmem:s19+$0x102D0]  }
0x153: {  	v18 =	vld [tilespmem:s19+$0x10200]  }
0x154: {  	v20 =	vld [tilespmem:s19+$0x10210]  }
0x155: {  	v17 =	vld [tilespmem:s19+$0x10220]  }
0x156: {  	v19 =	vld [tilespmem:s19+$0x10230]  }
0x157: {  	v11 =	vimm.f32 $0.0e+00;
	v12 =	vimm.f32 $0.0e+00;
	v14 =	vld [tilespmem:s19+$0x10240]  }
0x158: {  	v13 =	vimm.f32 $0.0e+00;
	v9 =	vimm.f32 $0.0e+00;
	v10 =	vimm.f32 $0.0e+00;
	v15 =	vld [tilespmem:s19+$0x10250]  }
0x159: {  	s20 =	simm.s32 $0x400;
	v8 =	vimm.f32 $0.0e+00;
	v6 =	vimm.f32 $0.0e+00;
	v7 =	vimm.f32 $0.0e+00;
	v16 =	vld [tilespmem:s19+$0x10260]  }
.LBB2_15:
0x15a: {  	p0 =	sne.s32 s20, $0x6000;
	v10 =	vadd.f32 v18, v10;
	v11 =	vadd.f32 v20, v11;
	v18 =	vld [tilespmem:s19+$0x10270]  }
0x15b: {  	v12 =	vadd.f32 v17, v12;
	v13 =	vadd.f32 v19, v13;
	v17 =	vld [tilespmem:s19+$0x102E0]  }
0x15c: {  	v10 =	vadd.f32 v2, v10;
	v11 =	vadd.f32 v4, v11;
	v19 =	vld [tilespmem:s19+$0x102F0];
	s19 =	sshra.s32 s20, $0x2  }
0x15d: {  	v12 =	vadd.f32 v3, v12;
	v2 =	vld [tilespmem:s19+$0x10280];
	v13 =	vadd.f32 v5, v13  }
0x15e: {  	v6 =	vadd.f32 v14, v6;
	v7 =	vadd.f32 v15, v7;
	v4 =	vld [tilespmem:s19+$0x10290]  }
0x15f: {  	v9 =	vadd.f32 v16, v9;
	v3 =	vld [tilespmem:s19+$0x102A0];
	v8 =	vadd.f32 v18, v8  }
0x160: {  	v6 =	vadd.f32 v0, v6;
	v7 =	vadd.f32 v1, v7;
	v5 =	vld [tilespmem:s19+$0x102B0]  }
0x161: {  	v9 =	vadd.f32 v17, v9;
	v0 =	vld [tilespmem:s19+$0x102C0];
	v8 =	vadd.f32 v19, v8  }
0x162: {  	v1 =	vld [tilespmem:s19+$0x102D0]  }
0x163: {  	v18 =	vld [tilespmem:s19+$0x10200]  }
0x164: {  	v20 =	vld [tilespmem:s19+$0x10210]  }
.Ltmp6:
0x165: {  	v17 =	vld [tilespmem:s19+$0x10220];
	(pc) =	sbr.rel @p0 .LBB2_15-.Ltmp6, $4  }
0x166: {  	v19 =	vld [tilespmem:s19+$0x10230]  }
0x167: {  	v14 =	vld [tilespmem:s19+$0x10240]  }
0x168: {  	v15 =	vld [tilespmem:s19+$0x10250]  }
0x169: {  	s20 =	sadd.s32 $0x400, s20;
	v16 =	vld [tilespmem:s19+$0x10260]  }
0x16a: {  	s20 =	sor.u32 $0x2, s18  }
0x16b: {  	s21 =	sshll.u32 s20, $0x4  }
0x16c: {  	s21 =	sand.u32 $0x3FFFFFF0, s21  }
0x16d: {  	v21 =	vld [tilespmem:s21+$0x6400];
	_ =	sdelay $0x1  }
0x16e: {  	v10 =	vadd.f32 v18, v10  }
0x16f: {  	v11 =	vadd.f32 v20, v11;
	v18 =	vld [tilespmem:s19+$0x10270];
	v12 =	vadd.f32 v17, v12  }
0x170: {  	v17 =	vld [tilespmem:s19+$0x102E0];
	v13 =	vadd.f32 v19, v13;
	v2 =	vadd.f32 v2, v10  }
0x171: {  	v4 =	vadd.f32 v4, v11;
	v10 =	vld [tilespmem:s19+$0x102F0];
	v3 =	vadd.f32 v3, v12;
	(erf) = vrcp.f32 v21  }
0x172: {  	v6 =	vadd.f32 v14, v6;
	v5 =	vadd.f32 v5, v13  }
0x173: {  	v7 =	vadd.f32 v15, v7;
	v9 =	vadd.f32 v16, v9  }
0x174: {  	v0 =	vadd.f32 v0, v6;
	v8 =	vadd.f32 v18, v8  }
0x175: {  	v2 =	vadd.f32 v3, v2;
	v6 =	vadd.f32 v17, v9  }
0x176: {  	v1 =	vadd.f32 v1, v7;
	v7 =	vadd.f32 v10, v8  }
0x177: {  	v0 =	vadd.f32 v6, v0  }
0x178: {  	v3 =	vadd.f32 v5, v4;
	v1 =	vadd.f32 v7, v1  }
0x179: {  	v0 =	vadd.f32 v0, v2  }
0x17a: {  	v1 =	vadd.f32 v1, v3;
	v2 =	vpop (erf)  }
0x17b: {  	s31 =	sshll.u32 s20, $0x5;
	v0 =	vmul.f32 v2, v0  }
0x17c: {  	s19 =	sand.u32 $0x3FFFFFE0, s31;
	v1 =	vmul.f32 v2, v1  }
0x17d: {  	[tilespmem:s19+$0x13400] =	vst v0  }
0x17e: {  	[tilespmem:s19+$0x13410] =	vst v1;
	s19 =	simm.s32 $0x0  }
0x17f: {  	v2 =	vld [tilespmem:s19+$0x11B80]  }
0x180: {  	v4 =	vld [tilespmem:s19+$0x11B90]  }
0x181: {  	v3 =	vld [tilespmem:s19+$0x11BA0]  }
0x182: {  	v5 =	vld [tilespmem:s19+$0x11BB0]  }
0x183: {  	v0 =	vld [tilespmem:s19+$0x11BC0]  }
0x184: {  	v1 =	vld [tilespmem:s19+$0x11BD0]  }
0x185: {  	v18 =	vld [tilespmem:s19+$0x11B00]  }
0x186: {  	v20 =	vld [tilespmem:s19+$0x11B10]  }
0x187: {  	v17 =	vld [tilespmem:s19+$0x11B20]  }
0x188: {  	v19 =	vld [tilespmem:s19+$0x11B30]  }
0x189: {  	v11 =	vimm.f32 $0.0e+00;
	v12 =	vimm.f32 $0.0e+00;
	v14 =	vld [tilespmem:s19+$0x11B40]  }
0x18a: {  	v13 =	vimm.f32 $0.0e+00;
	v9 =	vimm.f32 $0.0e+00;
	v10 =	vimm.f32 $0.0e+00;
	v15 =	vld [tilespmem:s19+$0x11B50]  }
0x18b: {  	s20 =	simm.s32 $0x400;
	v8 =	vimm.f32 $0.0e+00;
	v6 =	vimm.f32 $0.0e+00;
	v7 =	vimm.f32 $0.0e+00;
	v16 =	vld [tilespmem:s19+$0x11B60]  }
.LBB2_17:
0x18c: {  	p0 =	sne.s32 s20, $0x6000;
	v10 =	vadd.f32 v18, v10;
	v11 =	vadd.f32 v20, v11;
	v18 =	vld [tilespmem:s19+$0x11B70]  }
0x18d: {  	v12 =	vadd.f32 v17, v12;
	v13 =	vadd.f32 v19, v13;
	v17 =	vld [tilespmem:s19+$0x11BE0]  }
0x18e: {  	v10 =	vadd.f32 v2, v10;
	v11 =	vadd.f32 v4, v11;
	v19 =	vld [tilespmem:s19+$0x11BF0];
	s19 =	sshra.s32 s20, $0x2  }
0x18f: {  	v12 =	vadd.f32 v3, v12;
	v2 =	vld [tilespmem:s19+$0x11B80];
	v13 =	vadd.f32 v5, v13  }
0x190: {  	v6 =	vadd.f32 v14, v6;
	v7 =	vadd.f32 v15, v7;
	v4 =	vld [tilespmem:s19+$0x11B90]  }
0x191: {  	v9 =	vadd.f32 v16, v9;
	v3 =	vld [tilespmem:s19+$0x11BA0];
	v8 =	vadd.f32 v18, v8  }
0x192: {  	v6 =	vadd.f32 v0, v6;
	v7 =	vadd.f32 v1, v7;
	v5 =	vld [tilespmem:s19+$0x11BB0]  }
0x193: {  	v9 =	vadd.f32 v17, v9;
	v0 =	vld [tilespmem:s19+$0x11BC0];
	v8 =	vadd.f32 v19, v8  }
0x194: {  	v1 =	vld [tilespmem:s19+$0x11BD0]  }
0x195: {  	v18 =	vld [tilespmem:s19+$0x11B00]  }
0x196: {  	v20 =	vld [tilespmem:s19+$0x11B10]  }
.Ltmp7:
0x197: {  	v17 =	vld [tilespmem:s19+$0x11B20];
	(pc) =	sbr.rel @p0 .LBB2_17-.Ltmp7, $4  }
0x198: {  	v19 =	vld [tilespmem:s19+$0x11B30]  }
0x199: {  	v14 =	vld [tilespmem:s19+$0x11B40]  }
0x19a: {  	v15 =	vld [tilespmem:s19+$0x11B50]  }
0x19b: {  	s20 =	sadd.s32 $0x400, s20;
	v16 =	vld [tilespmem:s19+$0x11B60]  }
0x19c: {  	s18 =	sor.u32 $0x3, s18  }
0x19d: {  	s20 =	sshll.u32 s18, $0x4  }
0x19e: {  	s20 =	sand.u32 $0x3FFFFFF0, s20  }
0x19f: {  	v21 =	vld [tilespmem:s20+$0x6400];
	_ =	sdelay $0x2  }
0x1a0: {  	v10 =	vadd.f32 v18, v10;
	v11 =	vadd.f32 v20, v11;
	v57 =	vld [tilespmem:s19+$0x11B70]  }
0x1a1: {  	v12 =	vadd.f32 v17, v12;
	v58 =	vld [tilespmem:s19+$0x11BE0];
	v13 =	vadd.f32 v19, v13  }
0x1a2: {  	v59 =	vld [tilespmem:s19+$0x11BF0];
	v2 =	vadd.f32 v2, v10;
	v4 =	vadd.f32 v4, v11;
	(erf) = vrcp.f32 v21  }
0x1a3: {  	v3 =	vadd.f32 v3, v12;
	v6 =	vadd.f32 v14, v6  }
0x1a4: {  	v5 =	vadd.f32 v5, v13;
	v9 =	vadd.f32 v16, v9  }
0x1a5: {  	v7 =	vadd.f32 v15, v7;
	v8 =	vadd.f32 v57, v8  }
0x1a6: {  	v0 =	vadd.f32 v0, v6;
	v60 =	vadd.f32 v58, v9  }
0x1a7: {  	v1 =	vadd.f32 v1, v7;
	v61 =	vadd.f32 v59, v8  }
0x1a8: {  	v2 =	vadd.f32 v3, v2;
	v0 =	vadd.f32 v60, v0  }
0x1a9: {  	s17 =	sadd.s32 $0x1, s17;
	v62 =	vadd.f32 v5, v4;
	v1 =	vadd.f32 v61, v1  }
0x1aa: {  	p0 =	sne.s32 s17, $0x10;
	v0 =	vadd.f32 v0, v2  }
.Ltmp8:
0x1ab: {  	v1 =	vadd.f32 v1, v62;
	v63 =	vpop (erf);
	(pc) =	sbr.rel @p0 .LBB2_2-.Ltmp8, $4  }
0x1ac: {  	s18 =	sshll.u32 s18, $0x5;
	v0 =	vmul.f32 v63, v0  }
0x1ad: {  	s18 =	sand.u32 $0x3FFFFFE0, s18;
	v1 =	vmul.f32 v63, v1  }
0x1ae: {  	[tilespmem:s18+$0x13400] =	vst v0  }
0x1af: {  	[tilespmem:s18+$0x13410] =	vst v1  }
0x1b0: {  	s16 =	sadd.s32 $0x1, s16  }
0x1b1: {  	p0 =	sne.s32 s16, s7  }
.Ltmp9:
0x1b2: {  	_ = 	snop;
	(pc) =	sbr.rel @p0 .LBB2_1-.Ltmp9, $4  }
0x1b3: {  	[hbm4b:s6+s2] =	stream.linear.scatter [tilespmem:s15], [sflag:$0x3], $0x1000, $0x38;
	[tilespmem:$0x14400] =	vst v63  }
0x1b4: {  	_ =	swait.ge [sflag:s8], $0x1000  }
0x1b5: {  	[sflag:s8] =	ssyncset.done $0x0  }
0x1b6: {  	[sflag:s8] =	ssyncadd.s32 $0xFFFFF000  }
0x1b7: {  	_ =	sfence.sel $0x180000  }
0x1b8: {  	[bflag:$0x0] =	sbarrier.arrive $0xFFFF  }
0x1b9: {  	p0 =	sne.s32 s0, $0x0;
	_ =	strace $0x9000004A  }
0x1ba: {  	s0 =	sadd.s32 @!p0 $0x100000, s1;
	[bflag:$0x2] =	sbarrier.arrive $0xFFFF  }
0x1bb: {  	[sflag:s0] =	ssyncadd.tile.s32 @!p0 $0x1;
	_ =	shalt  }
.Lfunc_end2:
_tile_overlayer_lowered:
.L_overlay_start_2:
0x1bc: {  	(tag) =	ssettag $0x2  }
0x1bd: {  	s0 =	rddreg [dreg:$0x0];
	s2 =	stileid.u32  }
0x1be: {  	s1 =	rddreg [dreg:$0x1];
	p0 =	sne.s32 s2, $0x0  }
0x1bf: {  	s3 =	rddreg [dreg:$0x2];
	[bflag:$0x3] =	sbarrier.arrive $0xFFFF;
	s2 =	simm.s32 @!p0 $0x1C03  }
0x1c0: {  	[timem:s3], [sflag:s2] =	dma.local @!p0 [hbm:s0], s1  }
0x1c1: {  	s0 =	simm.s32 @!p0 $0x3  }
0x1c2: {  	_ =	swait.ge @!p0 [sflag:s0], s1  }
0x1c3: {  	s1 =	ssub.s32 @!p0 $0x0, s1;
	[sflag:s0] =	ssyncset.done @!p0 $0x0  }
0x1c4: {  	[sflag:s0] =	ssyncadd.s32 @!p0 s1  }
0x1c5: {  	[bflag:$0x3] =	sbarrier.arrive $0xFFFF  }
0x1c6: {  	_ =	shalt  }

</sc_bundles>
